<compile_context>
chip_gen: v7x
topology: tpu7x:2x2x1
jax: 0.10.2.dev20260603
libtpu: 0.0.44.dev20260713+nightly
codegen_flags: <defaults>
</compile_context>

<pallas_src>
import functools

import jax
import jax.numpy as jnp
from jax import lax
from jax.experimental import pallas as pl
from jax.experimental.pallas import tpu as pltpu
from jax.experimental.pallas import tpu_sc as plsc

NC = 2
NS = 16
NW = NC * NS

G = 128
L = 16


def _gather_t_sc(table, idxT, n_items, d):
    per_w = n_items // NW
    nt = per_w // 4
    nh = n_items // G

    mesh = plsc.VectorSubcoreMesh(core_axis_name="c", subcore_axis_name="s")

    @functools.partial(
        pl.kernel,
        out_type=jax.ShapeDtypeStruct((nh, d // 8, G, 8, G), jnp.float32),
        mesh=mesh,
        scratch_types=[
            pltpu.VMEM((per_w, G), jnp.int32),
            pltpu.VMEM((G, d), jnp.float32),
            pltpu.VMEM((G, d), jnp.float32),
            pltpu.VMEM((G, d), jnp.float32),
            pltpu.VMEM((G, d), jnp.float32),
            pltpu.VMEM((d // 8, 8, G), jnp.float32),
            pltpu.VMEM((d // 8, 8, G), jnp.float32),
            pltpu.SemaphoreType.DMA,
            pltpu.SemaphoreType.DMA,
        ],
        compiler_params=pltpu.CompilerParams(
            use_tc_tiling_on_sc=False, needs_layout_passes=False,
            disable_bounds_checks=True),
    )
    def k(tab_hbm, idx_hbm, o5_hbm, idxv, g0, g1, g2, g3, t0, t1,
          sem_g, sem_o):
        wid = lax.axis_index("s") * NC + lax.axis_index("c")
        base = wid * per_w

        pltpu.sync_copy(idx_hbm.at[pl.ds(base, per_w)], idxv)

        riota = lax.iota(jnp.int32, L)
        rowidx = [riota + (L * v) for v in range(G // L)]

        def transpose_block(g, t):
            @plsc.parallel_loop(0, d, 1, unroll=4)
            def _(c):
                cvec = jnp.broadcast_to(c, (L,))
                c2 = lax.shift_right_logical(c, 3)
                c1 = lax.bitwise_and(c, 7)
                for v in range(G // L):
                    vals = plsc.load_gather(g, [rowidx[v], cvec])
                    t[c2, c1, pl.ds(L * v, L)] = vals

        def out_dst(item):
            h = lax.shift_right_logical(item, 7)
            b128 = lax.bitwise_and(item, 127)
            return o5_hbm.at[h, :, b128]

        gbufs = (g0, g1, g2, g3)
        tbufs = (t0, t1)
        for j in range(3):
            pltpu.async_copy(tab_hbm.at[idxv.at[j]], gbufs[j], sem_g)

        def body(t_i, carry):
            i0 = 4 * t_i
            for u in range(4):
                i = i0 + u
                g = gbufs[u]
                tt = tbufs[u % 2]
                pltpu.make_async_copy(tab_hbm.at[idxv.at[i]], g, sem_g).wait()
                def fire():
                    pltpu.async_copy(
                        tab_hbm.at[idxv.at[i + 3]], gbufs[(u + 3) % 4],
                        sem_g)
                if u == 0:
                    fire()
                else:
                    pl.when(t_i < nt - 1)(fire)
                def drain():
                    pltpu.make_async_copy(
                        tt, out_dst(base + i - 2), sem_o).wait()
                if u >= 2:
                    drain()
                else:
                    pl.when(t_i > 0)(drain)
                transpose_block(g, tt)
                pltpu.async_copy(tt, out_dst(base + i), sem_o)
            return carry

        lax.fori_loop(0, nt, body, 0)

        pltpu.make_async_copy(t0, out_dst(base + per_w - 2), sem_o).wait()
        pltpu.make_async_copy(t1, out_dst(base + per_w - 1), sem_o).wait()

    return k(table, idxT)


def kernel(message, weight):
    b, h = message.shape
    v, d = weight.shape
    n = b * h
    idxT = message.T.reshape(n // G, G)
    o5 = _gather_t_sc(weight, idxT, n // G, d)
    out = o5.transpose(2, 4, 0, 1, 3).reshape(b, h, d)
    return out

# --- scband reference (transcript-rebuilt; emitter-appended) ---
"""Pipeline reference for scband-receiver-module-34780645163566 (READ-ONLY COPY).

The authoritative reference and input builder live on the scoring server;
editing this copy changes nothing except your own understanding.
"""

import jax, jax.numpy as jnp
import numpy as np

VOCAB = 1000000
N_HIDDEN = 32
BATCH = 16384
HIST = 200


def setup_inputs(seed: int = 0) -> dict:
    key = jax.random.key(seed)
    k1, k2 = jax.random.split(key)
    message = jax.random.randint(k1, (BATCH, HIST), 0, VOCAB, dtype=jnp.int32)
    weight = jax.random.normal(k2, (VOCAB, N_HIDDEN), dtype=jnp.float32) * 0.02
    return {"message": message, "weight": weight}


def reference(message, weight):
    # RelaxedEmbedding with integer message behaves exactly like nn.Embedding:
    # a row gather from the embedding table.
    return jnp.take(weight, message, axis=0)

if __name__ == "__main__":
    import jax
    _d = setup_inputs()
    print(jax.jit(kernel)(*tuple(_d.values())))

</pallas_src>

<mosaic_0001>
#map = affine_map<(d0, d1) -> (0, 0)>
#map1 = affine_map<(d0, d1) -> (0, 0, 0, 0, 0)>
module attributes {stable_mosaic.version = 14 : i64} {
  func.func @k(%arg0: i32, %arg1: i32, %arg2: memref<1000000x32xf32, #tpu.memory_space<hbm>>, %arg3: memref<25600x128xi32, #tpu.memory_space<hbm>>, %arg4: memref<200x4x128x8x128xf32, #tpu.memory_space<hbm>>, %arg5: memref<800x128xi32, #tpu.memory_space<vmem>>, %arg6: memref<128x32xf32, #tpu.memory_space<vmem>>, %arg7: memref<128x32xf32, #tpu.memory_space<vmem>>, %arg8: memref<128x32xf32, #tpu.memory_space<vmem>>, %arg9: memref<128x32xf32, #tpu.memory_space<vmem>>, %arg10: memref<4x8x128xf32, #tpu.memory_space<vmem>>, %arg11: memref<4x8x128xf32, #tpu.memory_space<vmem>>, %arg12: memref<!tpu.dma_semaphore, #tpu.memory_space<semaphore_mem>>, %arg13: memref<!tpu.dma_semaphore, #tpu.memory_space<semaphore_mem>>) attributes {dimension_semantics = [#tpu.dimension_semantics<core_parallel>, #tpu.dimension_semantics<subcore_parallel>], iteration_bounds = array<i64: 2, 16>, scalar_prefetch = 0 : i64, scratch_operands = 9 : i64, tpu.core_type = #tpu.core_type<sc_vector_subcore>, window_params = [{transform_indices = #map}, {transform_indices = #map}, {transform_indices = #map1}]} {
    %mul3A = arith.constant 2 : i32
    %mul3A_0 = arith.muli %arg1, %mul3A : i32
    %add3A = arith.addi %mul3A_0, %arg0 : i32
    %mul3A_1 = arith.constant 800 : i32
    %mul3A_2 = arith.muli %add3A, %mul3A_1 : i32
    "tpu.region"() ({
      %run_scoped3A = tpu.sem_alloc : memref<!tpu.dma_semaphore, #tpu.memory_space<semaphore_mem>>
      %dma_start3A_84 = arith.constant 0 : i32
      %dma_start3A_85 = tpu.memref_slice %arg3[%mul3A_2, %dma_start3A_84] : memref<25600x128xi32, #tpu.memory_space<hbm>> -> memref<800x128xi32, #tpu.memory_space<hbm>>
      %dma_start3A_86 = arith.constant 0 : i32
      %dma_start3A_87 = tpu.memref_slice %arg3[%mul3A_2, %dma_start3A_86] : memref<25600x128xi32, #tpu.memory_space<hbm>> -> memref<800x128xi32, #tpu.memory_space<hbm>>
      tpu.enqueue_dma source(%dma_start3A_87 : memref<800x128xi32, #tpu.memory_space<hbm>>) target(%arg5 : memref<800x128xi32, #tpu.memory_space<vmem>>) target_semaphore(%run_scoped3A : memref<!tpu.dma_semaphore, #tpu.memory_space<semaphore_mem>>)
      %dma_wait3A_88 = arith.constant 0 : i32
      %dma_wait3A_89 = tpu.memref_slice %arg3[%mul3A_2, %dma_wait3A_88] : memref<25600x128xi32, #tpu.memory_space<hbm>> -> memref<800x128xi32, #tpu.memory_space<hbm>>
      %dma_wait3A_90 = arith.constant 0 : i32
      %dma_wait3A_91 = tpu.memref_slice %arg3[%mul3A_2, %dma_wait3A_90] : memref<25600x128xi32, #tpu.memory_space<hbm>> -> memref<800x128xi32, #tpu.memory_space<hbm>>
      tpu.wait_dma2 semaphore(%run_scoped3A : memref<!tpu.dma_semaphore, #tpu.memory_space<semaphore_mem>>) src(%dma_wait3A_91 : memref<800x128xi32, #tpu.memory_space<hbm>>) dst(%arg5 : memref<800x128xi32, #tpu.memory_space<vmem>>)
      tpu.yield
    }) : () -> ()
    %iota3A = tpu.iota {dimensions = array<i32: 0>} : vector<16xi32>
    %add3A_3 = arith.constant 0 : i32
    %add3A_4 = vector.broadcast %add3A_3 : i32 to vector<16xi32>
    %add3A_5 = arith.addi %iota3A, %add3A_4 : vector<16xi32>
    %add3A_6 = arith.constant 16 : i32
    %add3A_7 = vector.broadcast %add3A_6 : i32 to vector<16xi32>
    %add3A_8 = arith.addi %iota3A, %add3A_7 : vector<16xi32>
    %add3A_9 = arith.constant 32 : i32
    %add3A_10 = vector.broadcast %add3A_9 : i32 to vector<16xi32>
    %add3A_11 = arith.addi %iota3A, %add3A_10 : vector<16xi32>
    %add3A_12 = arith.constant 48 : i32
    %add3A_13 = vector.broadcast %add3A_12 : i32 to vector<16xi32>
    %add3A_14 = arith.addi %iota3A, %add3A_13 : vector<16xi32>
    %add3A_15 = arith.constant 64 : i32
    %add3A_16 = vector.broadcast %add3A_15 : i32 to vector<16xi32>
    %add3A_17 = arith.addi %iota3A, %add3A_16 : vector<16xi32>
    %add3A_18 = arith.constant 80 : i32
    %add3A_19 = vector.broadcast %add3A_18 : i32 to vector<16xi32>
    %add3A_20 = arith.addi %iota3A, %add3A_19 : vector<16xi32>
    %add3A_21 = arith.constant 96 : i32
    %add3A_22 = vector.broadcast %add3A_21 : i32 to vector<16xi32>
    %add3A_23 = arith.addi %iota3A, %add3A_22 : vector<16xi32>
    %add3A_24 = arith.constant 112 : i32
    %add3A_25 = vector.broadcast %add3A_24 : i32 to vector<16xi32>
    %add3A_26 = arith.addi %iota3A, %add3A_25 : vector<16xi32>
    %dma_start3A = arith.constant 0 : i32
    %dma_start3A_27 = arith.constant 0 : i32
    %dma_start3A_28 = tpu.memref_slice %arg5[%dma_start3A, %dma_start3A_27] : memref<800x128xi32, #tpu.memory_space<vmem>> -> memref<1x128xi32, #tpu.memory_space<vmem>>
    %dma_start3A_29 = tpu.memref_squeeze %dma_start3A_28 : memref<1x128xi32, #tpu.memory_space<vmem>> -> memref<128xi32, #tpu.memory_space<vmem>>
    %dma_start3A_30 = arith.constant 0 : i32
    %dma_start3A_31 = arith.constant 0 : i32
    %dma_start3A_32 = tpu.memref_slice %arg2[%dma_start3A_30, %dma_start3A_31] : memref<1000000x32xf32, #tpu.memory_space<hbm>> -> memref<1000000x32xf32, #tpu.memory_space<hbm>>
    tpu.enqueue_indirect_dma source(%dma_start3A_32 : memref<1000000x32xf32, #tpu.memory_space<hbm>>) target(%arg6 : memref<128x32xf32, #tpu.memory_space<vmem>>) offsets(%dma_start3A_29 : memref<128xi32, #tpu.memory_space<vmem>>) semaphore(%arg12 : memref<!tpu.dma_semaphore, #tpu.memory_space<semaphore_mem>>)
    %dma_start3A_33 = arith.constant 1 : i32
    %dma_start3A_34 = arith.constant 0 : i32
    %dma_start3A_35 = tpu.memref_slice %arg5[%dma_start3A_33, %dma_start3A_34] : memref<800x128xi32, #tpu.memory_space<vmem>> -> memref<1x128xi32, #tpu.memory_space<vmem>>
    %dma_start3A_36 = tpu.memref_squeeze %dma_start3A_35 : memref<1x128xi32, #tpu.memory_space<vmem>> -> memref<128xi32, #tpu.memory_space<vmem>>
    %dma_start3A_37 = arith.constant 0 : i32
    %dma_start3A_38 = arith.constant 0 : i32
    %dma_start3A_39 = tpu.memref_slice %arg2[%dma_start3A_37, %dma_start3A_38] : memref<1000000x32xf32, #tpu.memory_space<hbm>> -> memref<1000000x32xf32, #tpu.memory_space<hbm>>
    tpu.enqueue_indirect_dma source(%dma_start3A_39 : memref<1000000x32xf32, #tpu.memory_space<hbm>>) target(%arg7 : memref<128x32xf32, #tpu.memory_space<vmem>>) offsets(%dma_start3A_36 : memref<128xi32, #tpu.memory_space<vmem>>) semaphore(%arg12 : memref<!tpu.dma_semaphore, #tpu.memory_space<semaphore_mem>>)
    %dma_start3A_40 = arith.constant 2 : i32
    %dma_start3A_41 = arith.constant 0 : i32
    %dma_start3A_42 = tpu.memref_slice %arg5[%dma_start3A_40, %dma_start3A_41] : memref<800x128xi32, #tpu.memory_space<vmem>> -> memref<1x128xi32, #tpu.memory_space<vmem>>
    %dma_start3A_43 = tpu.memref_squeeze %dma_start3A_42 : memref<1x128xi32, #tpu.memory_space<vmem>> -> memref<128xi32, #tpu.memory_space<vmem>>
    %dma_start3A_44 = arith.constant 0 : i32
    %dma_start3A_45 = arith.constant 0 : i32
    %dma_start3A_46 = tpu.memref_slice %arg2[%dma_start3A_44, %dma_start3A_45] : memref<1000000x32xf32, #tpu.memory_space<hbm>> -> memref<1000000x32xf32, #tpu.memory_space<hbm>>
    tpu.enqueue_indirect_dma source(%dma_start3A_46 : memref<1000000x32xf32, #tpu.memory_space<hbm>>) target(%arg8 : memref<128x32xf32, #tpu.memory_space<vmem>>) offsets(%dma_start3A_43 : memref<128xi32, #tpu.memory_space<vmem>>) semaphore(%arg12 : memref<!tpu.dma_semaphore, #tpu.memory_space<semaphore_mem>>)
    %scan3A = arith.constant 0 : i32
    %scan3A_47 = arith.constant 0 : i32
    %scan3A_48 = arith.constant 200 : i32
    %scan3A_49 = arith.addi %scan3A_47, %scan3A_48 : i32
    %scan3A_50 = arith.constant 1 : i32
    scf.for %scan3A_84 = %scan3A_47 to %scan3A_49 step %scan3A_50  : i32 {
      %mul3A_85 = arith.constant 4 : i32
      %mul3A_86 = arith.muli %mul3A_85, %scan3A_84 : i32
      %add3A_87 = arith.constant 0 : i32
      %add3A_88 = arith.addi %mul3A_86, %add3A_87 : i32
      %dma_wait3A_89 = arith.constant 0 : i32
      %dma_wait3A_90 = tpu.memref_slice %arg5[%add3A_88, %dma_wait3A_89] : memref<800x128xi32, #tpu.memory_space<vmem>> -> memref<1x128xi32, #tpu.memory_space<vmem>>
      %dma_wait3A_91 = tpu.memref_squeeze %dma_wait3A_90 : memref<1x128xi32, #tpu.memory_space<vmem>> -> memref<128xi32, #tpu.memory_space<vmem>>
      %dma_wait3A_92 = arith.constant 0 : i32
      %dma_wait3A_93 = arith.constant 0 : i32
      %dma_wait3A_94 = tpu.memref_slice %arg2[%dma_wait3A_92, %dma_wait3A_93] : memref<1000000x32xf32, #tpu.memory_space<hbm>> -> memref<1000000x32xf32, #tpu.memory_space<hbm>>
      tpu.wait_indirect_dma semaphore(%arg12 : memref<!tpu.dma_semaphore, #tpu.memory_space<semaphore_mem>>) src(%dma_wait3A_94 : memref<1000000x32xf32, #tpu.memory_space<hbm>>) dst(%arg6 : memref<128x32xf32, #tpu.memory_space<vmem>>)
      %add3A_95 = arith.constant 3 : i32
      %add3A_96 = arith.addi %add3A_88, %add3A_95 : i32
      %dma_start3A_97 = arith.constant 0 : i32
      %dma_start3A_98 = tpu.memref_slice %arg5[%add3A_96, %dma_start3A_97] : memref<800x128xi32, #tpu.memory_space<vmem>> -> memref<1x128xi32, #tpu.memory_space<vmem>>
      %dma_start3A_99 = tpu.memref_squeeze %dma_start3A_98 : memref<1x128xi32, #tpu.memory_space<vmem>> -> memref<128xi32, #tpu.memory_space<vmem>>
      %dma_start3A_100 = arith.constant 0 : i32
      %dma_start3A_101 = arith.constant 0 : i32
      %dma_start3A_102 = tpu.memref_slice %arg2[%dma_start3A_100, %dma_start3A_101] : memref<1000000x32xf32, #tpu.memory_space<hbm>> -> memref<1000000x32xf32, #tpu.memory_space<hbm>>
      tpu.enqueue_indirect_dma source(%dma_start3A_102 : memref<1000000x32xf32, #tpu.memory_space<hbm>>) target(%arg9 : memref<128x32xf32, #tpu.memory_space<vmem>>) offsets(%dma_start3A_99 : memref<128xi32, #tpu.memory_space<vmem>>) semaphore(%arg12 : memref<!tpu.dma_semaphore, #tpu.memory_space<semaphore_mem>>)
      %gt3A = arith.constant 0 : i32
      %gt3A_103 = arith.cmpi sgt, %scan3A_84, %gt3A : i32
      %convert_element_type3A = arith.extui %gt3A_103 : i1 to i32
      %cond3A = arith.constant 0 : i32
      %cond3A_104 = arith.cmpi ne, %convert_element_type3A, %cond3A : i32
      scf.if %cond3A_104 {
        %add3A_253 = arith.addi %mul3A_2, %add3A_88 : i32
        %sub3A_254 = arith.constant 2 : i32
        %sub3A_255 = arith.subi %add3A_253, %sub3A_254 : i32
        %shift_right_logical3A_256 = arith.constant 7 : i32
        %shift_right_logical3A_257 = arith.shrui %sub3A_255, %shift_right_logical3A_256 : i32
        %and3A_258 = arith.constant 127 : i32
        %and3A_259 = arith.andi %sub3A_255, %and3A_258 : i32
        %dma_wait3A_260 = arith.constant 0 : i32
        %dma_wait3A_261 = arith.constant 0 : i32
        %dma_wait3A_262 = arith.constant 0 : i32
        %dma_wait3A_263 = tpu.memref_slice %arg4[%shift_right_logical3A_257, %dma_wait3A_260, %and3A_259, %dma_wait3A_261, %dma_wait3A_262] : memref<200x4x128x8x128xf32, #tpu.memory_space<hbm>> -> memref<1x4x1x8x128xf32, #tpu.memory_space<hbm>>
        %dma_wait3A_264 = tpu.memref_squeeze %dma_wait3A_263 : memref<1x4x1x8x128xf32, #tpu.memory_space<hbm>> -> memref<4x8x128xf32, #tpu.memory_space<hbm>>
        %dma_wait3A_265 = arith.constant 0 : i32
        %dma_wait3A_266 = arith.constant 0 : i32
        %dma_wait3A_267 = arith.constant 0 : i32
        %dma_wait3A_268 = tpu.memref_slice %arg4[%shift_right_logical3A_257, %dma_wait3A_265, %and3A_259, %dma_wait3A_266, %dma_wait3A_267] : memref<200x4x128x8x128xf32, #tpu.memory_space<hbm>> -> memref<1x4x1x8x128xf32, #tpu.memory_space<hbm>>
        %dma_wait3A_269 = tpu.memref_squeeze %dma_wait3A_268 : memref<1x4x1x8x128xf32, #tpu.memory_space<hbm>> -> memref<4x8x128xf32, #tpu.memory_space<hbm>>
        tpu.wait_dma2 semaphore(%arg13 : memref<!tpu.dma_semaphore, #tpu.memory_space<semaphore_mem>>) src(%arg10 : memref<4x8x128xf32, #tpu.memory_space<vmem>>) dst(%dma_wait3A_269 : memref<4x8x128xf32, #tpu.memory_space<hbm>>)
      } else {
      }
      %parallel_loop3A = arith.constant 0 : i32
      %parallel_loop3A_105 = arith.constant 32 : i32
      %parallel_loop3A_106 = arith.constant 1 : i32
      scf.for %parallel_loop3A_253 = %parallel_loop3A to %parallel_loop3A_105 step %parallel_loop3A_106  : i32 {
        %parallel_loop3A_254 = vector.broadcast %parallel_loop3A_253 : i32 to vector<16xi32>
        %parallel_loop3A_255 = arith.constant 3 : i32
        %parallel_loop3A_256 = arith.shrui %parallel_loop3A_253, %parallel_loop3A_255 : i32
        %parallel_loop3A_257 = arith.constant 7 : i32
        %parallel_loop3A_258 = arith.andi %parallel_loop3A_253, %parallel_loop3A_257 : i32
        %parallel_loop3A_259 = tpu.vector_load_idx %arg6[%add3A_5, %parallel_loop3A_254] : memref<128x32xf32, #tpu.memory_space<vmem>>[vector<16xi32>, vector<16xi32>], vector<16xf32>,
        %parallel_loop3A_260 = arith.index_cast %parallel_loop3A_256 : i32 to index
        %parallel_loop3A_261 = arith.index_cast %parallel_loop3A_258 : i32 to index
        %parallel_loop3A_262 = arith.constant 0 : index
        %parallel_loop3A_263 = tpu.vector_load %arg10[%parallel_loop3A_260, %parallel_loop3A_261, %parallel_loop3A_262] {strides = array<i32>} : memref<4x8x128xf32, #tpu.memory_space<vmem>>, vector<16xf32>,
        tpu.vector_store %arg10[%parallel_loop3A_260, %parallel_loop3A_261, %parallel_loop3A_262], %parallel_loop3A_259 {strides = array<i32>} : memref<4x8x128xf32, #tpu.memory_space<vmem>>, vector<16xf32>,
        %parallel_loop3A_264 = tpu.vector_load_idx %arg6[%add3A_8, %parallel_loop3A_254] : memref<128x32xf32, #tpu.memory_space<vmem>>[vector<16xi32>, vector<16xi32>], vector<16xf32>,
        %parallel_loop3A_265 = arith.index_cast %parallel_loop3A_256 : i32 to index
        %parallel_loop3A_266 = arith.index_cast %parallel_loop3A_258 : i32 to index
        %parallel_loop3A_267 = arith.constant 16 : index
        %parallel_loop3A_268 = tpu.vector_load %arg10[%parallel_loop3A_265, %parallel_loop3A_266, %parallel_loop3A_267] {strides = array<i32>} : memref<4x8x128xf32, #tpu.memory_space<vmem>>, vector<16xf32>,
        tpu.vector_store %arg10[%parallel_loop3A_265, %parallel_loop3A_266, %parallel_loop3A_267], %parallel_loop3A_264 {strides = array<i32>} : memref<4x8x128xf32, #tpu.memory_space<vmem>>, vector<16xf32>,
        %parallel_loop3A_269 = tpu.vector_load_idx %arg6[%add3A_11, %parallel_loop3A_254] : memref<128x32xf32, #tpu.memory_space<vmem>>[vector<16xi32>, vector<16xi32>], vector<16xf32>,
        %parallel_loop3A_270 = arith.index_cast %parallel_loop3A_256 : i32 to index
        %parallel_loop3A_271 = arith.index_cast %parallel_loop3A_258 : i32 to index
        %parallel_loop3A_272 = arith.constant 32 : index
        %parallel_loop3A_273 = tpu.vector_load %arg10[%parallel_loop3A_270, %parallel_loop3A_271, %parallel_loop3A_272] {strides = array<i32>} : memref<4x8x128xf32, #tpu.memory_space<vmem>>, vector<16xf32>,
        tpu.vector_store %arg10[%parallel_loop3A_270, %parallel_loop3A_271, %parallel_loop3A_272], %parallel_loop3A_269 {strides = array<i32>} : memref<4x8x128xf32, #tpu.memory_space<vmem>>, vector<16xf32>,
        %parallel_loop3A_274 = tpu.vector_load_idx %arg6[%add3A_14, %parallel_loop3A_254] : memref<128x32xf32, #tpu.memory_space<vmem>>[vector<16xi32>, vector<16xi32>], vector<16xf32>,
        %parallel_loop3A_275 = arith.index_cast %parallel_loop3A_256 : i32 to index
        %parallel_loop3A_276 = arith.index_cast %parallel_loop3A_258 : i32 to index
        %parallel_loop3A_277 = arith.constant 48 : index
        %parallel_loop3A_278 = tpu.vector_load %arg10[%parallel_loop3A_275, %parallel_loop3A_276, %parallel_loop3A_277] {strides = array<i32>} : memref<4x8x128xf32, #tpu.memory_space<vmem>>, vector<16xf32>,
        tpu.vector_store %arg10[%parallel_loop3A_275, %parallel_loop3A_276, %parallel_loop3A_277], %parallel_loop3A_274 {strides = array<i32>} : memref<4x8x128xf32, #tpu.memory_space<vmem>>, vector<16xf32>,
        %parallel_loop3A_279 = tpu.vector_load_idx %arg6[%add3A_17, %parallel_loop3A_254] : memref<128x32xf32, #tpu.memory_space<vmem>>[vector<16xi32>, vector<16xi32>], vector<16xf32>,
        %parallel_loop3A_280 = arith.index_cast %parallel_loop3A_256 : i32 to index
        %parallel_loop3A_281 = arith.index_cast %parallel_loop3A_258 : i32 to index
        %parallel_loop3A_282 = arith.constant 64 : index
        %parallel_loop3A_283 = tpu.vector_load %arg10[%parallel_loop3A_280, %parallel_loop3A_281, %parallel_loop3A_282] {strides = array<i32>} : memref<4x8x128xf32, #tpu.memory_space<vmem>>, vector<16xf32>,
        tpu.vector_store %arg10[%parallel_loop3A_280, %parallel_loop3A_281, %parallel_loop3A_282], %parallel_loop3A_279 {strides = array<i32>} : memref<4x8x128xf32, #tpu.memory_space<vmem>>, vector<16xf32>,
        %parallel_loop3A_284 = tpu.vector_load_idx %arg6[%add3A_20, %parallel_loop3A_254] : memref<128x32xf32, #tpu.memory_space<vmem>>[vector<16xi32>, vector<16xi32>], vector<16xf32>,
        %parallel_loop3A_285 = arith.index_cast %parallel_loop3A_256 : i32 to index
        %parallel_loop3A_286 = arith.index_cast %parallel_loop3A_258 : i32 to index
        %parallel_loop3A_287 = arith.constant 80 : index
        %parallel_loop3A_288 = tpu.vector_load %arg10[%parallel_loop3A_285, %parallel_loop3A_286, %parallel_loop3A_287] {strides = array<i32>} : memref<4x8x128xf32, #tpu.memory_space<vmem>>, vector<16xf32>,
        tpu.vector_store %arg10[%parallel_loop3A_285, %parallel_loop3A_286, %parallel_loop3A_287], %parallel_loop3A_284 {strides = array<i32>} : memref<4x8x128xf32, #tpu.memory_space<vmem>>, vector<16xf32>,
        %parallel_loop3A_289 = tpu.vector_load_idx %arg6[%add3A_23, %parallel_loop3A_254] : memref<128x32xf32, #tpu.memory_space<vmem>>[vector<16xi32>, vector<16xi32>], vector<16xf32>,
        %parallel_loop3A_290 = arith.index_cast %parallel_loop3A_256 : i32 to index
        %parallel_loop3A_291 = arith.index_cast %parallel_loop3A_258 : i32 to index
        %parallel_loop3A_292 = arith.constant 96 : index
        %parallel_loop3A_293 = tpu.vector_load %arg10[%parallel_loop3A_290, %parallel_loop3A_291, %parallel_loop3A_292] {strides = array<i32>} : memref<4x8x128xf32, #tpu.memory_space<vmem>>, vector<16xf32>,
        tpu.vector_store %arg10[%parallel_loop3A_290, %parallel_loop3A_291, %parallel_loop3A_292], %parallel_loop3A_289 {strides = array<i32>} : memref<4x8x128xf32, #tpu.memory_space<vmem>>, vector<16xf32>,
        %parallel_loop3A_294 = tpu.vector_load_idx %arg6[%add3A_26, %parallel_loop3A_254] : memref<128x32xf32, #tpu.memory_space<vmem>>[vector<16xi32>, vector<16xi32>], vector<16xf32>,
        %parallel_loop3A_295 = arith.index_cast %parallel_loop3A_256 : i32 to index
        %parallel_loop3A_296 = arith.index_cast %parallel_loop3A_258 : i32 to index
        %parallel_loop3A_297 = arith.constant 112 : index
        %parallel_loop3A_298 = tpu.vector_load %arg10[%parallel_loop3A_295, %parallel_loop3A_296, %parallel_loop3A_297] {strides = array<i32>} : memref<4x8x128xf32, #tpu.memory_space<vmem>>, vector<16xf32>,
        tpu.vector_store %arg10[%parallel_loop3A_295, %parallel_loop3A_296, %parallel_loop3A_297], %parallel_loop3A_294 {strides = array<i32>} : memref<4x8x128xf32, #tpu.memory_space<vmem>>, vector<16xf32>,
      } {sc.loop_unroll_factor = 4 : i64, sc.parallel_access}
      %add3A_107 = arith.addi %mul3A_2, %add3A_88 : i32
      %shift_right_logical3A_108 = arith.constant 7 : i32
      %shift_right_logical3A_109 = arith.shrui %add3A_107, %shift_right_logical3A_108 : i32
      %and3A_110 = arith.constant 127 : i32
      %and3A_111 = arith.andi %add3A_107, %and3A_110 : i32
      %dma_start3A_112 = arith.constant 0 : i32
      %dma_start3A_113 = arith.constant 0 : i32
      %dma_start3A_114 = arith.constant 0 : i32
      %dma_start3A_115 = tpu.memref_slice %arg4[%shift_right_logical3A_109, %dma_start3A_112, %and3A_111, %dma_start3A_113, %dma_start3A_114] : memref<200x4x128x8x128xf32, #tpu.memory_space<hbm>> -> memref<1x4x1x8x128xf32, #tpu.memory_space<hbm>>
      %dma_start3A_116 = tpu.memref_squeeze %dma_start3A_115 : memref<1x4x1x8x128xf32, #tpu.memory_space<hbm>> -> memref<4x8x128xf32, #tpu.memory_space<hbm>>
      %dma_start3A_117 = arith.constant 0 : i32
      %dma_start3A_118 = arith.constant 0 : i32
      %dma_start3A_119 = arith.constant 0 : i32
      %dma_start3A_120 = tpu.memref_slice %arg4[%shift_right_logical3A_109, %dma_start3A_117, %and3A_111, %dma_start3A_118, %dma_start3A_119] : memref<200x4x128x8x128xf32, #tpu.memory_space<hbm>> -> memref<1x4x1x8x128xf32, #tpu.memory_space<hbm>>
      %dma_start3A_121 = tpu.memref_squeeze %dma_start3A_120 : memref<1x4x1x8x128xf32, #tpu.memory_space<hbm>> -> memref<4x8x128xf32, #tpu.memory_space<hbm>>
      tpu.enqueue_dma source(%arg10 : memref<4x8x128xf32, #tpu.memory_space<vmem>>) target(%dma_start3A_121 : memref<4x8x128xf32, #tpu.memory_space<hbm>>) target_semaphore(%arg13 : memref<!tpu.dma_semaphore, #tpu.memory_space<semaphore_mem>>)
      %add3A_122 = arith.constant 1 : i32
      %add3A_123 = arith.addi %mul3A_86, %add3A_122 : i32
      %dma_wait3A_124 = arith.constant 0 : i32
      %dma_wait3A_125 = tpu.memref_slice %arg5[%add3A_123, %dma_wait3A_124] : memref<800x128xi32, #tpu.memory_space<vmem>> -> memref<1x128xi32, #tpu.memory_space<vmem>>
      %dma_wait3A_126 = tpu.memref_squeeze %dma_wait3A_125 : memref<1x128xi32, #tpu.memory_space<vmem>> -> memref<128xi32, #tpu.memory_space<vmem>>
      %dma_wait3A_127 = arith.constant 0 : i32
      %dma_wait3A_128 = arith.constant 0 : i32
      %dma_wait3A_129 = tpu.memref_slice %arg2[%dma_wait3A_127, %dma_wait3A_128] : memref<1000000x32xf32, #tpu.memory_space<hbm>> -> memref<1000000x32xf32, #tpu.memory_space<hbm>>
      tpu.wait_indirect_dma semaphore(%arg12 : memref<!tpu.dma_semaphore, #tpu.memory_space<semaphore_mem>>) src(%dma_wait3A_129 : memref<1000000x32xf32, #tpu.memory_space<hbm>>) dst(%arg7 : memref<128x32xf32, #tpu.memory_space<vmem>>)
      %lt3A = arith.constant 199 : i32
      %lt3A_130 = arith.cmpi slt, %scan3A_84, %lt3A : i32
      %convert_element_type3A_131 = arith.extui %lt3A_130 : i1 to i32
      %cond3A_132 = arith.constant 0 : i32
      %cond3A_133 = arith.cmpi ne, %convert_element_type3A_131, %cond3A_132 : i32
      scf.if %cond3A_133 {
        %add3A_253 = arith.constant 3 : i32
        %add3A_254 = arith.addi %add3A_123, %add3A_253 : i32
        %dma_start3A_255 = arith.constant 0 : i32
        %dma_start3A_256 = tpu.memref_slice %arg5[%add3A_254, %dma_start3A_255] : memref<800x128xi32, #tpu.memory_space<vmem>> -> memref<1x128xi32, #tpu.memory_space<vmem>>
        %dma_start3A_257 = tpu.memref_squeeze %dma_start3A_256 : memref<1x128xi32, #tpu.memory_space<vmem>> -> memref<128xi32, #tpu.memory_space<vmem>>
        %dma_start3A_258 = arith.constant 0 : i32
        %dma_start3A_259 = arith.constant 0 : i32
        %dma_start3A_260 = tpu.memref_slice %arg2[%dma_start3A_258, %dma_start3A_259] : memref<1000000x32xf32, #tpu.memory_space<hbm>> -> memref<1000000x32xf32, #tpu.memory_space<hbm>>
        tpu.enqueue_indirect_dma source(%dma_start3A_260 : memref<1000000x32xf32, #tpu.memory_space<hbm>>) target(%arg6 : memref<128x32xf32, #tpu.memory_space<vmem>>) offsets(%dma_start3A_257 : memref<128xi32, #tpu.memory_space<vmem>>) semaphore(%arg12 : memref<!tpu.dma_semaphore, #tpu.memory_space<semaphore_mem>>)
      } else {
      }
      %gt3A_134 = arith.constant 0 : i32
      %gt3A_135 = arith.cmpi sgt, %scan3A_84, %gt3A_134 : i32
      %convert_element_type3A_136 = arith.extui %gt3A_135 : i1 to i32
      %cond3A_137 = arith.constant 0 : i32
      %cond3A_138 = arith.cmpi ne, %convert_element_type3A_136, %cond3A_137 : i32
      scf.if %cond3A_138 {
        %add3A_253 = arith.addi %mul3A_2, %add3A_123 : i32
        %sub3A_254 = arith.constant 2 : i32
        %sub3A_255 = arith.subi %add3A_253, %sub3A_254 : i32
        %shift_right_logical3A_256 = arith.constant 7 : i32
        %shift_right_logical3A_257 = arith.shrui %sub3A_255, %shift_right_logical3A_256 : i32
        %and3A_258 = arith.constant 127 : i32
        %and3A_259 = arith.andi %sub3A_255, %and3A_258 : i32
        %dma_wait3A_260 = arith.constant 0 : i32
        %dma_wait3A_261 = arith.constant 0 : i32
        %dma_wait3A_262 = arith.constant 0 : i32
        %dma_wait3A_263 = tpu.memref_slice %arg4[%shift_right_logical3A_257, %dma_wait3A_260, %and3A_259, %dma_wait3A_261, %dma_wait3A_262] : memref<200x4x128x8x128xf32, #tpu.memory_space<hbm>> -> memref<1x4x1x8x128xf32, #tpu.memory_space<hbm>>
        %dma_wait3A_264 = tpu.memref_squeeze %dma_wait3A_263 : memref<1x4x1x8x128xf32, #tpu.memory_space<hbm>> -> memref<4x8x128xf32, #tpu.memory_space<hbm>>
        %dma_wait3A_265 = arith.constant 0 : i32
        %dma_wait3A_266 = arith.constant 0 : i32
        %dma_wait3A_267 = arith.constant 0 : i32
        %dma_wait3A_268 = tpu.memref_slice %arg4[%shift_right_logical3A_257, %dma_wait3A_265, %and3A_259, %dma_wait3A_266, %dma_wait3A_267] : memref<200x4x128x8x128xf32, #tpu.memory_space<hbm>> -> memref<1x4x1x8x128xf32, #tpu.memory_space<hbm>>
        %dma_wait3A_269 = tpu.memref_squeeze %dma_wait3A_268 : memref<1x4x1x8x128xf32, #tpu.memory_space<hbm>> -> memref<4x8x128xf32, #tpu.memory_space<hbm>>
        tpu.wait_dma2 semaphore(%arg13 : memref<!tpu.dma_semaphore, #tpu.memory_space<semaphore_mem>>) src(%arg11 : memref<4x8x128xf32, #tpu.memory_space<vmem>>) dst(%dma_wait3A_269 : memref<4x8x128xf32, #tpu.memory_space<hbm>>)
      } else {
      }
      %parallel_loop3A_139 = arith.constant 0 : i32
      %parallel_loop3A_140 = arith.constant 32 : i32
      %parallel_loop3A_141 = arith.constant 1 : i32
      scf.for %parallel_loop3A_253 = %parallel_loop3A_139 to %parallel_loop3A_140 step %parallel_loop3A_141  : i32 {
        %parallel_loop3A_254 = vector.broadcast %parallel_loop3A_253 : i32 to vector<16xi32>
        %parallel_loop3A_255 = arith.constant 3 : i32
        %parallel_loop3A_256 = arith.shrui %parallel_loop3A_253, %parallel_loop3A_255 : i32
        %parallel_loop3A_257 = arith.constant 7 : i32
        %parallel_loop3A_258 = arith.andi %parallel_loop3A_253, %parallel_loop3A_257 : i32
        %parallel_loop3A_259 = tpu.vector_load_idx %arg7[%add3A_5, %parallel_loop3A_254] : memref<128x32xf32, #tpu.memory_space<vmem>>[vector<16xi32>, vector<16xi32>], vector<16xf32>,
        %parallel_loop3A_260 = arith.index_cast %parallel_loop3A_256 : i32 to index
        %parallel_loop3A_261 = arith.index_cast %parallel_loop3A_258 : i32 to index
        %parallel_loop3A_262 = arith.constant 0 : index
        %parallel_loop3A_263 = tpu.vector_load %arg11[%parallel_loop3A_260, %parallel_loop3A_261, %parallel_loop3A_262] {strides = array<i32>} : memref<4x8x128xf32, #tpu.memory_space<vmem>>, vector<16xf32>,
        tpu.vector_store %arg11[%parallel_loop3A_260, %parallel_loop3A_261, %parallel_loop3A_262], %parallel_loop3A_259 {strides = array<i32>} : memref<4x8x128xf32, #tpu.memory_space<vmem>>, vector<16xf32>,
        %parallel_loop3A_264 = tpu.vector_load_idx %arg7[%add3A_8, %parallel_loop3A_254] : memref<128x32xf32, #tpu.memory_space<vmem>>[vector<16xi32>, vector<16xi32>], vector<16xf32>,
        %parallel_loop3A_265 = arith.index_cast %parallel_loop3A_256 : i32 to index
        %parallel_loop3A_266 = arith.index_cast %parallel_loop3A_258 : i32 to index
        %parallel_loop3A_267 = arith.constant 16 : index
        %parallel_loop3A_268 = tpu.vector_load %arg11[%parallel_loop3A_265, %parallel_loop3A_266, %parallel_loop3A_267] {strides = array<i32>} : memref<4x8x128xf32, #tpu.memory_space<vmem>>, vector<16xf32>,
        tpu.vector_store %arg11[%parallel_loop3A_265, %parallel_loop3A_266, %parallel_loop3A_267], %parallel_loop3A_264 {strides = array<i32>} : memref<4x8x128xf32, #tpu.memory_space<vmem>>, vector<16xf32>,
        %parallel_loop3A_269 = tpu.vector_load_idx %arg7[%add3A_11, %parallel_loop3A_254] : memref<128x32xf32, #tpu.memory_space<vmem>>[vector<16xi32>, vector<16xi32>], vector<16xf32>,
        %parallel_loop3A_270 = arith.index_cast %parallel_loop3A_256 : i32 to index
        %parallel_loop3A_271 = arith.index_cast %parallel_loop3A_258 : i32 to index
        %parallel_loop3A_272 = arith.constant 32 : index
        %parallel_loop3A_273 = tpu.vector_load %arg11[%parallel_loop3A_270, %parallel_loop3A_271, %parallel_loop3A_272] {strides = array<i32>} : memref<4x8x128xf32, #tpu.memory_space<vmem>>, vector<16xf32>,
        tpu.vector_store %arg11[%parallel_loop3A_270, %parallel_loop3A_271, %parallel_loop3A_272], %parallel_loop3A_269 {strides = array<i32>} : memref<4x8x128xf32, #tpu.memory_space<vmem>>, vector<16xf32>,
        %parallel_loop3A_274 = tpu.vector_load_idx %arg7[%add3A_14, %parallel_loop3A_254] : memref<128x32xf32, #tpu.memory_space<vmem>>[vector<16xi32>, vector<16xi32>], vector<16xf32>,
        %parallel_loop3A_275 = arith.index_cast %parallel_loop3A_256 : i32 to index
        %parallel_loop3A_276 = arith.index_cast %parallel_loop3A_258 : i32 to index
        %parallel_loop3A_277 = arith.constant 48 : index
        %parallel_loop3A_278 = tpu.vector_load %arg11[%parallel_loop3A_275, %parallel_loop3A_276, %parallel_loop3A_277] {strides = array<i32>} : memref<4x8x128xf32, #tpu.memory_space<vmem>>, vector<16xf32>,
        tpu.vector_store %arg11[%parallel_loop3A_275, %parallel_loop3A_276, %parallel_loop3A_277], %parallel_loop3A_274 {strides = array<i32>} : memref<4x8x128xf32, #tpu.memory_space<vmem>>, vector<16xf32>,
        %parallel_loop3A_279 = tpu.vector_load_idx %arg7[%add3A_17, %parallel_loop3A_254] : memref<128x32xf32, #tpu.memory_space<vmem>>[vector<16xi32>, vector<16xi32>], vector<16xf32>,
        %parallel_loop3A_280 = arith.index_cast %parallel_loop3A_256 : i32 to index
        %parallel_loop3A_281 = arith.index_cast %parallel_loop3A_258 : i32 to index
        %parallel_loop3A_282 = arith.constant 64 : index
        %parallel_loop3A_283 = tpu.vector_load %arg11[%parallel_loop3A_280, %parallel_loop3A_281, %parallel_loop3A_282] {strides = array<i32>} : memref<4x8x128xf32, #tpu.memory_space<vmem>>, vector<16xf32>,
        tpu.vector_store %arg11[%parallel_loop3A_280, %parallel_loop3A_281, %parallel_loop3A_282], %parallel_loop3A_279 {strides = array<i32>} : memref<4x8x128xf32, #tpu.memory_space<vmem>>, vector<16xf32>,
        %parallel_loop3A_284 = tpu.vector_load_idx %arg7[%add3A_20, %parallel_loop3A_254] : memref<128x32xf32, #tpu.memory_space<vmem>>[vector<16xi32>, vector<16xi32>], vector<16xf32>,
        %parallel_loop3A_285 = arith.index_cast %parallel_loop3A_256 : i32 to index
        %parallel_loop3A_286 = arith.index_cast %parallel_loop3A_258 : i32 to index
        %parallel_loop3A_287 = arith.constant 80 : index
        %parallel_loop3A_288 = tpu.vector_load %arg11[%parallel_loop3A_285, %parallel_loop3A_286, %parallel_loop3A_287] {strides = array<i32>} : memref<4x8x128xf32, #tpu.memory_space<vmem>>, vector<16xf32>,
        tpu.vector_store %arg11[%parallel_loop3A_285, %parallel_loop3A_286, %parallel_loop3A_287], %parallel_loop3A_284 {strides = array<i32>} : memref<4x8x128xf32, #tpu.memory_space<vmem>>, vector<16xf32>,
        %parallel_loop3A_289 = tpu.vector_load_idx %arg7[%add3A_23, %parallel_loop3A_254] : memref<128x32xf32, #tpu.memory_space<vmem>>[vector<16xi32>, vector<16xi32>], vector<16xf32>,
        %parallel_loop3A_290 = arith.index_cast %parallel_loop3A_256 : i32 to index
        %parallel_loop3A_291 = arith.index_cast %parallel_loop3A_258 : i32 to index
        %parallel_loop3A_292 = arith.constant 96 : index
        %parallel_loop3A_293 = tpu.vector_load %arg11[%parallel_loop3A_290, %parallel_loop3A_291, %parallel_loop3A_292] {strides = array<i32>} : memref<4x8x128xf32, #tpu.memory_space<vmem>>, vector<16xf32>,
        tpu.vector_store %arg11[%parallel_loop3A_290, %parallel_loop3A_291, %parallel_loop3A_292], %parallel_loop3A_289 {strides = array<i32>} : memref<4x8x128xf32, #tpu.memory_space<vmem>>, vector<16xf32>,
        %parallel_loop3A_294 = tpu.vector_load_idx %arg7[%add3A_26, %parallel_loop3A_254] : memref<128x32xf32, #tpu.memory_space<vmem>>[vector<16xi32>, vector<16xi32>], vector<16xf32>,
        %parallel_loop3A_295 = arith.index_cast %parallel_loop3A_256 : i32 to index
        %parallel_loop3A_296 = arith.index_cast %parallel_loop3A_258 : i32 to index
        %parallel_loop3A_297 = arith.constant 112 : index
        %parallel_loop3A_298 = tpu.vector_load %arg11[%parallel_loop3A_295, %parallel_loop3A_296, %parallel_loop3A_297] {strides = array<i32>} : memref<4x8x128xf32, #tpu.memory_space<vmem>>, vector<16xf32>,
        tpu.vector_store %arg11[%parallel_loop3A_295, %parallel_loop3A_296, %parallel_loop3A_297], %parallel_loop3A_294 {strides = array<i32>} : memref<4x8x128xf32, #tpu.memory_space<vmem>>, vector<16xf32>,
      } {sc.loop_unroll_factor = 4 : i64, sc.parallel_access}
      %add3A_142 = arith.addi %mul3A_2, %add3A_123 : i32
      %shift_right_logical3A_143 = arith.constant 7 : i32
      %shift_right_logical3A_144 = arith.shrui %add3A_142, %shift_right_logical3A_143 : i32
      %and3A_145 = arith.constant 127 : i32
      %and3A_146 = arith.andi %add3A_142, %and3A_145 : i32
      %dma_start3A_147 = arith.constant 0 : i32
      %dma_start3A_148 = arith.constant 0 : i32
      %dma_start3A_149 = arith.constant 0 : i32
      %dma_start3A_150 = tpu.memref_slice %arg4[%shift_right_logical3A_144, %dma_start3A_147, %and3A_146, %dma_start3A_148, %dma_start3A_149] : memref<200x4x128x8x128xf32, #tpu.memory_space<hbm>> -> memref<1x4x1x8x128xf32, #tpu.memory_space<hbm>>
      %dma_start3A_151 = tpu.memref_squeeze %dma_start3A_150 : memref<1x4x1x8x128xf32, #tpu.memory_space<hbm>> -> memref<4x8x128xf32, #tpu.memory_space<hbm>>
      %dma_start3A_152 = arith.constant 0 : i32
      %dma_start3A_153 = arith.constant 0 : i32
      %dma_start3A_154 = arith.constant 0 : i32
      %dma_start3A_155 = tpu.memref_slice %arg4[%shift_right_logical3A_144, %dma_start3A_152, %and3A_146, %dma_start3A_153, %dma_start3A_154] : memref<200x4x128x8x128xf32, #tpu.memory_space<hbm>> -> memref<1x4x1x8x128xf32, #tpu.memory_space<hbm>>
      %dma_start3A_156 = tpu.memref_squeeze %dma_start3A_155 : memref<1x4x1x8x128xf32, #tpu.memory_space<hbm>> -> memref<4x8x128xf32, #tpu.memory_space<hbm>>
      tpu.enqueue_dma source(%arg11 : memref<4x8x128xf32, #tpu.memory_space<vmem>>) target(%dma_start3A_156 : memref<4x8x128xf32, #tpu.memory_space<hbm>>) target_semaphore(%arg13 : memref<!tpu.dma_semaphore, #tpu.memory_space<semaphore_mem>>)
      %add3A_157 = arith.constant 2 : i32
      %add3A_158 = arith.addi %mul3A_86, %add3A_157 : i32
      %dma_wait3A_159 = arith.constant 0 : i32
      %dma_wait3A_160 = tpu.memref_slice %arg5[%add3A_158, %dma_wait3A_159] : memref<800x128xi32, #tpu.memory_space<vmem>> -> memref<1x128xi32, #tpu.memory_space<vmem>>
      %dma_wait3A_161 = tpu.memref_squeeze %dma_wait3A_160 : memref<1x128xi32, #tpu.memory_space<vmem>> -> memref<128xi32, #tpu.memory_space<vmem>>
      %dma_wait3A_162 = arith.constant 0 : i32
      %dma_wait3A_163 = arith.constant 0 : i32
      %dma_wait3A_164 = tpu.memref_slice %arg2[%dma_wait3A_162, %dma_wait3A_163] : memref<1000000x32xf32, #tpu.memory_space<hbm>> -> memref<1000000x32xf32, #tpu.memory_space<hbm>>
      tpu.wait_indirect_dma semaphore(%arg12 : memref<!tpu.dma_semaphore, #tpu.memory_space<semaphore_mem>>) src(%dma_wait3A_164 : memref<1000000x32xf32, #tpu.memory_space<hbm>>) dst(%arg8 : memref<128x32xf32, #tpu.memory_space<vmem>>)
      %lt3A_165 = arith.constant 199 : i32
      %lt3A_166 = arith.cmpi slt, %scan3A_84, %lt3A_165 : i32
      %convert_element_type3A_167 = arith.extui %lt3A_166 : i1 to i32
      %cond3A_168 = arith.constant 0 : i32
      %cond3A_169 = arith.cmpi ne, %convert_element_type3A_167, %cond3A_168 : i32
      scf.if %cond3A_169 {
        %add3A_253 = arith.constant 3 : i32
        %add3A_254 = arith.addi %add3A_158, %add3A_253 : i32
        %dma_start3A_255 = arith.constant 0 : i32
        %dma_start3A_256 = tpu.memref_slice %arg5[%add3A_254, %dma_start3A_255] : memref<800x128xi32, #tpu.memory_space<vmem>> -> memref<1x128xi32, #tpu.memory_space<vmem>>
        %dma_start3A_257 = tpu.memref_squeeze %dma_start3A_256 : memref<1x128xi32, #tpu.memory_space<vmem>> -> memref<128xi32, #tpu.memory_space<vmem>>
        %dma_start3A_258 = arith.constant 0 : i32
        %dma_start3A_259 = arith.constant 0 : i32
        %dma_start3A_260 = tpu.memref_slice %arg2[%dma_start3A_258, %dma_start3A_259] : memref<1000000x32xf32, #tpu.memory_space<hbm>> -> memref<1000000x32xf32, #tpu.memory_space<hbm>>
        tpu.enqueue_indirect_dma source(%dma_start3A_260 : memref<1000000x32xf32, #tpu.memory_space<hbm>>) target(%arg7 : memref<128x32xf32, #tpu.memory_space<vmem>>) offsets(%dma_start3A_257 : memref<128xi32, #tpu.memory_space<vmem>>) semaphore(%arg12 : memref<!tpu.dma_semaphore, #tpu.memory_space<semaphore_mem>>)
      } else {
      }
      %add3A_170 = arith.addi %mul3A_2, %add3A_158 : i32
      %sub3A_171 = arith.constant 2 : i32
      %sub3A_172 = arith.subi %add3A_170, %sub3A_171 : i32
      %shift_right_logical3A_173 = arith.constant 7 : i32
      %shift_right_logical3A_174 = arith.shrui %sub3A_172, %shift_right_logical3A_173 : i32
      %and3A_175 = arith.constant 127 : i32
      %and3A_176 = arith.andi %sub3A_172, %and3A_175 : i32
      %dma_wait3A_177 = arith.constant 0 : i32
      %dma_wait3A_178 = arith.constant 0 : i32
      %dma_wait3A_179 = arith.constant 0 : i32
      %dma_wait3A_180 = tpu.memref_slice %arg4[%shift_right_logical3A_174, %dma_wait3A_177, %and3A_176, %dma_wait3A_178, %dma_wait3A_179] : memref<200x4x128x8x128xf32, #tpu.memory_space<hbm>> -> memref<1x4x1x8x128xf32, #tpu.memory_space<hbm>>
      %dma_wait3A_181 = tpu.memref_squeeze %dma_wait3A_180 : memref<1x4x1x8x128xf32, #tpu.memory_space<hbm>> -> memref<4x8x128xf32, #tpu.memory_space<hbm>>
      %dma_wait3A_182 = arith.constant 0 : i32
      %dma_wait3A_183 = arith.constant 0 : i32
      %dma_wait3A_184 = arith.constant 0 : i32
      %dma_wait3A_185 = tpu.memref_slice %arg4[%shift_right_logical3A_174, %dma_wait3A_182, %and3A_176, %dma_wait3A_183, %dma_wait3A_184] : memref<200x4x128x8x128xf32, #tpu.memory_space<hbm>> -> memref<1x4x1x8x128xf32, #tpu.memory_space<hbm>>
      %dma_wait3A_186 = tpu.memref_squeeze %dma_wait3A_185 : memref<1x4x1x8x128xf32, #tpu.memory_space<hbm>> -> memref<4x8x128xf32, #tpu.memory_space<hbm>>
      tpu.wait_dma2 semaphore(%arg13 : memref<!tpu.dma_semaphore, #tpu.memory_space<semaphore_mem>>) src(%arg10 : memref<4x8x128xf32, #tpu.memory_space<vmem>>) dst(%dma_wait3A_186 : memref<4x8x128xf32, #tpu.memory_space<hbm>>)
      %parallel_loop3A_187 = arith.constant 0 : i32
      %parallel_loop3A_188 = arith.constant 32 : i32
      %parallel_loop3A_189 = arith.constant 1 : i32
      scf.for %parallel_loop3A_253 = %parallel_loop3A_187 to %parallel_loop3A_188 step %parallel_loop3A_189  : i32 {
        %parallel_loop3A_254 = vector.broadcast %parallel_loop3A_253 : i32 to vector<16xi32>
        %parallel_loop3A_255 = arith.constant 3 : i32
        %parallel_loop3A_256 = arith.shrui %parallel_loop3A_253, %parallel_loop3A_255 : i32
        %parallel_loop3A_257 = arith.constant 7 : i32
        %parallel_loop3A_258 = arith.andi %parallel_loop3A_253, %parallel_loop3A_257 : i32
        %parallel_loop3A_259 = tpu.vector_load_idx %arg8[%add3A_5, %parallel_loop3A_254] : memref<128x32xf32, #tpu.memory_space<vmem>>[vector<16xi32>, vector<16xi32>], vector<16xf32>,
        %parallel_loop3A_260 = arith.index_cast %parallel_loop3A_256 : i32 to index
        %parallel_loop3A_261 = arith.index_cast %parallel_loop3A_258 : i32 to index
        %parallel_loop3A_262 = arith.constant 0 : index
        %parallel_loop3A_263 = tpu.vector_load %arg10[%parallel_loop3A_260, %parallel_loop3A_261, %parallel_loop3A_262] {strides = array<i32>} : memref<4x8x128xf32, #tpu.memory_space<vmem>>, vector<16xf32>,
        tpu.vector_store %arg10[%parallel_loop3A_260, %parallel_loop3A_261, %parallel_loop3A_262], %parallel_loop3A_259 {strides = array<i32>} : memref<4x8x128xf32, #tpu.memory_space<vmem>>, vector<16xf32>,
        %parallel_loop3A_264 = tpu.vector_load_idx %arg8[%add3A_8, %parallel_loop3A_254] : memref<128x32xf32, #tpu.memory_space<vmem>>[vector<16xi32>, vector<16xi32>], vector<16xf32>,
        %parallel_loop3A_265 = arith.index_cast %parallel_loop3A_256 : i32 to index
        %parallel_loop3A_266 = arith.index_cast %parallel_loop3A_258 : i32 to index
        %parallel_loop3A_267 = arith.constant 16 : index
        %parallel_loop3A_268 = tpu.vector_load %arg10[%parallel_loop3A_265, %parallel_loop3A_266, %parallel_loop3A_267] {strides = array<i32>} : memref<4x8x128xf32, #tpu.memory_space<vmem>>, vector<16xf32>,
        tpu.vector_store %arg10[%parallel_loop3A_265, %parallel_loop3A_266, %parallel_loop3A_267], %parallel_loop3A_264 {strides = array<i32>} : memref<4x8x128xf32, #tpu.memory_space<vmem>>, vector<16xf32>,
        %parallel_loop3A_269 = tpu.vector_load_idx %arg8[%add3A_11, %parallel_loop3A_254] : memref<128x32xf32, #tpu.memory_space<vmem>>[vector<16xi32>, vector<16xi32>], vector<16xf32>,
        %parallel_loop3A_270 = arith.index_cast %parallel_loop3A_256 : i32 to index
        %parallel_loop3A_271 = arith.index_cast %parallel_loop3A_258 : i32 to index
        %parallel_loop3A_272 = arith.constant 32 : index
        %parallel_loop3A_273 = tpu.vector_load %arg10[%parallel_loop3A_270, %parallel_loop3A_271, %parallel_loop3A_272] {strides = array<i32>} : memref<4x8x128xf32, #tpu.memory_space<vmem>>, vector<16xf32>,
        tpu.vector_store %arg10[%parallel_loop3A_270, %parallel_loop3A_271, %parallel_loop3A_272], %parallel_loop3A_269 {strides = array<i32>} : memref<4x8x128xf32, #tpu.memory_space<vmem>>, vector<16xf32>,
        %parallel_loop3A_274 = tpu.vector_load_idx %arg8[%add3A_14, %parallel_loop3A_254] : memref<128x32xf32, #tpu.memory_space<vmem>>[vector<16xi32>, vector<16xi32>], vector<16xf32>,
        %parallel_loop3A_275 = arith.index_cast %parallel_loop3A_256 : i32 to index
        %parallel_loop3A_276 = arith.index_cast %parallel_loop3A_258 : i32 to index
        %parallel_loop3A_277 = arith.constant 48 : index
        %parallel_loop3A_278 = tpu.vector_load %arg10[%parallel_loop3A_275, %parallel_loop3A_276, %parallel_loop3A_277] {strides = array<i32>} : memref<4x8x128xf32, #tpu.memory_space<vmem>>, vector<16xf32>,
        tpu.vector_store %arg10[%parallel_loop3A_275, %parallel_loop3A_276, %parallel_loop3A_277], %parallel_loop3A_274 {strides = array<i32>} : memref<4x8x128xf32, #tpu.memory_space<vmem>>, vector<16xf32>,
        %parallel_loop3A_279 = tpu.vector_load_idx %arg8[%add3A_17, %parallel_loop3A_254] : memref<128x32xf32, #tpu.memory_space<vmem>>[vector<16xi32>, vector<16xi32>], vector<16xf32>,
        %parallel_loop3A_280 = arith.index_cast %parallel_loop3A_256 : i32 to index
        %parallel_loop3A_281 = arith.index_cast %parallel_loop3A_258 : i32 to index
        %parallel_loop3A_282 = arith.constant 64 : index
        %parallel_loop3A_283 = tpu.vector_load %arg10[%parallel_loop3A_280, %parallel_loop3A_281, %parallel_loop3A_282] {strides = array<i32>} : memref<4x8x128xf32, #tpu.memory_space<vmem>>, vector<16xf32>,
        tpu.vector_store %arg10[%parallel_loop3A_280, %parallel_loop3A_281, %parallel_loop3A_282], %parallel_loop3A_279 {strides = array<i32>} : memref<4x8x128xf32, #tpu.memory_space<vmem>>, vector<16xf32>,
        %parallel_loop3A_284 = tpu.vector_load_idx %arg8[%add3A_20, %parallel_loop3A_254] : memref<128x32xf32, #tpu.memory_space<vmem>>[vector<16xi32>, vector<16xi32>], vector<16xf32>,
        %parallel_loop3A_285 = arith.index_cast %parallel_loop3A_256 : i32 to index
        %parallel_loop3A_286 = arith.index_cast %parallel_loop3A_258 : i32 to index
        %parallel_loop3A_287 = arith.constant 80 : index
        %parallel_loop3A_288 = tpu.vector_load %arg10[%parallel_loop3A_285, %parallel_loop3A_286, %parallel_loop3A_287] {strides = array<i32>} : memref<4x8x128xf32, #tpu.memory_space<vmem>>, vector<16xf32>,
        tpu.vector_store %arg10[%parallel_loop3A_285, %parallel_loop3A_286, %parallel_loop3A_287], %parallel_loop3A_284 {strides = array<i32>} : memref<4x8x128xf32, #tpu.memory_space<vmem>>, vector<16xf32>,
        %parallel_loop3A_289 = tpu.vector_load_idx %arg8[%add3A_23, %parallel_loop3A_254] : memref<128x32xf32, #tpu.memory_space<vmem>>[vector<16xi32>, vector<16xi32>], vector<16xf32>,
        %parallel_loop3A_290 = arith.index_cast %parallel_loop3A_256 : i32 to index
        %parallel_loop3A_291 = arith.index_cast %parallel_loop3A_258 : i32 to index
        %parallel_loop3A_292 = arith.constant 96 : index
        %parallel_loop3A_293 = tpu.vector_load %arg10[%parallel_loop3A_290, %parallel_loop3A_291, %parallel_loop3A_292] {strides = array<i32>} : memref<4x8x128xf32, #tpu.memory_space<vmem>>, vector<16xf32>,
        tpu.vector_store %arg10[%parallel_loop3A_290, %parallel_loop3A_291, %parallel_loop3A_292], %parallel_loop3A_289 {strides = array<i32>} : memref<4x8x128xf32, #tpu.memory_space<vmem>>, vector<16xf32>,
        %parallel_loop3A_294 = tpu.vector_load_idx %arg8[%add3A_26, %parallel_loop3A_254] : memref<128x32xf32, #tpu.memory_space<vmem>>[vector<16xi32>, vector<16xi32>], vector<16xf32>,
        %parallel_loop3A_295 = arith.index_cast %parallel_loop3A_256 : i32 to index
        %parallel_loop3A_296 = arith.index_cast %parallel_loop3A_258 : i32 to index
        %parallel_loop3A_297 = arith.constant 112 : index
        %parallel_loop3A_298 = tpu.vector_load %arg10[%parallel_loop3A_295, %parallel_loop3A_296, %parallel_loop3A_297] {strides = array<i32>} : memref<4x8x128xf32, #tpu.memory_space<vmem>>, vector<16xf32>,
        tpu.vector_store %arg10[%parallel_loop3A_295, %parallel_loop3A_296, %parallel_loop3A_297], %parallel_loop3A_294 {strides = array<i32>} : memref<4x8x128xf32, #tpu.memory_space<vmem>>, vector<16xf32>,
      } {sc.loop_unroll_factor = 4 : i64, sc.parallel_access}
      %add3A_190 = arith.addi %mul3A_2, %add3A_158 : i32
      %shift_right_logical3A_191 = arith.constant 7 : i32
      %shift_right_logical3A_192 = arith.shrui %add3A_190, %shift_right_logical3A_191 : i32
      %and3A_193 = arith.constant 127 : i32
      %and3A_194 = arith.andi %add3A_190, %and3A_193 : i32
      %dma_start3A_195 = arith.constant 0 : i32
      %dma_start3A_196 = arith.constant 0 : i32
      %dma_start3A_197 = arith.constant 0 : i32
      %dma_start3A_198 = tpu.memref_slice %arg4[%shift_right_logical3A_192, %dma_start3A_195, %and3A_194, %dma_start3A_196, %dma_start3A_197] : memref<200x4x128x8x128xf32, #tpu.memory_space<hbm>> -> memref<1x4x1x8x128xf32, #tpu.memory_space<hbm>>
      %dma_start3A_199 = tpu.memref_squeeze %dma_start3A_198 : memref<1x4x1x8x128xf32, #tpu.memory_space<hbm>> -> memref<4x8x128xf32, #tpu.memory_space<hbm>>
      %dma_start3A_200 = arith.constant 0 : i32
      %dma_start3A_201 = arith.constant 0 : i32
      %dma_start3A_202 = arith.constant 0 : i32
      %dma_start3A_203 = tpu.memref_slice %arg4[%shift_right_logical3A_192, %dma_start3A_200, %and3A_194, %dma_start3A_201, %dma_start3A_202] : memref<200x4x128x8x128xf32, #tpu.memory_space<hbm>> -> memref<1x4x1x8x128xf32, #tpu.memory_space<hbm>>
      %dma_start3A_204 = tpu.memref_squeeze %dma_start3A_203 : memref<1x4x1x8x128xf32, #tpu.memory_space<hbm>> -> memref<4x8x128xf32, #tpu.memory_space<hbm>>
      tpu.enqueue_dma source(%arg10 : memref<4x8x128xf32, #tpu.memory_space<vmem>>) target(%dma_start3A_204 : memref<4x8x128xf32, #tpu.memory_space<hbm>>) target_semaphore(%arg13 : memref<!tpu.dma_semaphore, #tpu.memory_space<semaphore_mem>>)
      %add3A_205 = arith.constant 3 : i32
      %add3A_206 = arith.addi %mul3A_86, %add3A_205 : i32
      %dma_wait3A_207 = arith.constant 0 : i32
      %dma_wait3A_208 = tpu.memref_slice %arg5[%add3A_206, %dma_wait3A_207] : memref<800x128xi32, #tpu.memory_space<vmem>> -> memref<1x128xi32, #tpu.memory_space<vmem>>
      %dma_wait3A_209 = tpu.memref_squeeze %dma_wait3A_208 : memref<1x128xi32, #tpu.memory_space<vmem>> -> memref<128xi32, #tpu.memory_space<vmem>>
      %dma_wait3A_210 = arith.constant 0 : i32
      %dma_wait3A_211 = arith.constant 0 : i32
      %dma_wait3A_212 = tpu.memref_slice %arg2[%dma_wait3A_210, %dma_wait3A_211] : memref<1000000x32xf32, #tpu.memory_space<hbm>> -> memref<1000000x32xf32, #tpu.memory_space<hbm>>
      tpu.wait_indirect_dma semaphore(%arg12 : memref<!tpu.dma_semaphore, #tpu.memory_space<semaphore_mem>>) src(%dma_wait3A_212 : memref<1000000x32xf32, #tpu.memory_space<hbm>>) dst(%arg9 : memref<128x32xf32, #tpu.memory_space<vmem>>)
      %lt3A_213 = arith.constant 199 : i32
      %lt3A_214 = arith.cmpi slt, %scan3A_84, %lt3A_213 : i32
      %convert_element_type3A_215 = arith.extui %lt3A_214 : i1 to i32
      %cond3A_216 = arith.constant 0 : i32
      %cond3A_217 = arith.cmpi ne, %convert_element_type3A_215, %cond3A_216 : i32
      scf.if %cond3A_217 {
        %add3A_253 = arith.constant 3 : i32
        %add3A_254 = arith.addi %add3A_206, %add3A_253 : i32
        %dma_start3A_255 = arith.constant 0 : i32
        %dma_start3A_256 = tpu.memref_slice %arg5[%add3A_254, %dma_start3A_255] : memref<800x128xi32, #tpu.memory_space<vmem>> -> memref<1x128xi32, #tpu.memory_space<vmem>>
        %dma_start3A_257 = tpu.memref_squeeze %dma_start3A_256 : memref<1x128xi32, #tpu.memory_space<vmem>> -> memref<128xi32, #tpu.memory_space<vmem>>
        %dma_start3A_258 = arith.constant 0 : i32
        %dma_start3A_259 = arith.constant 0 : i32
        %dma_start3A_260 = tpu.memref_slice %arg2[%dma_start3A_258, %dma_start3A_259] : memref<1000000x32xf32, #tpu.memory_space<hbm>> -> memref<1000000x32xf32, #tpu.memory_space<hbm>>
        tpu.enqueue_indirect_dma source(%dma_start3A_260 : memref<1000000x32xf32, #tpu.memory_space<hbm>>) target(%arg8 : memref<128x32xf32, #tpu.memory_space<vmem>>) offsets(%dma_start3A_257 : memref<128xi32, #tpu.memory_space<vmem>>) semaphore(%arg12 : memref<!tpu.dma_semaphore, #tpu.memory_space<semaphore_mem>>)
      } else {
      }
      %add3A_218 = arith.addi %mul3A_2, %add3A_206 : i32
      %sub3A_219 = arith.constant 2 : i32
      %sub3A_220 = arith.subi %add3A_218, %sub3A_219 : i32
      %shift_right_logical3A_221 = arith.constant 7 : i32
      %shift_right_logical3A_222 = arith.shrui %sub3A_220, %shift_right_logical3A_221 : i32
      %and3A_223 = arith.constant 127 : i32
      %and3A_224 = arith.andi %sub3A_220, %and3A_223 : i32
      %dma_wait3A_225 = arith.constant 0 : i32
      %dma_wait3A_226 = arith.constant 0 : i32
      %dma_wait3A_227 = arith.constant 0 : i32
      %dma_wait3A_228 = tpu.memref_slice %arg4[%shift_right_logical3A_222, %dma_wait3A_225, %and3A_224, %dma_wait3A_226, %dma_wait3A_227] : memref<200x4x128x8x128xf32, #tpu.memory_space<hbm>> -> memref<1x4x1x8x128xf32, #tpu.memory_space<hbm>>
      %dma_wait3A_229 = tpu.memref_squeeze %dma_wait3A_228 : memref<1x4x1x8x128xf32, #tpu.memory_space<hbm>> -> memref<4x8x128xf32, #tpu.memory_space<hbm>>
      %dma_wait3A_230 = arith.constant 0 : i32
      %dma_wait3A_231 = arith.constant 0 : i32
      %dma_wait3A_232 = arith.constant 0 : i32
      %dma_wait3A_233 = tpu.memref_slice %arg4[%shift_right_logical3A_222, %dma_wait3A_230, %and3A_224, %dma_wait3A_231, %dma_wait3A_232] : memref<200x4x128x8x128xf32, #tpu.memory_space<hbm>> -> memref<1x4x1x8x128xf32, #tpu.memory_space<hbm>>
      %dma_wait3A_234 = tpu.memref_squeeze %dma_wait3A_233 : memref<1x4x1x8x128xf32, #tpu.memory_space<hbm>> -> memref<4x8x128xf32, #tpu.memory_space<hbm>>
      tpu.wait_dma2 semaphore(%arg13 : memref<!tpu.dma_semaphore, #tpu.memory_space<semaphore_mem>>) src(%arg11 : memref<4x8x128xf32, #tpu.memory_space<vmem>>) dst(%dma_wait3A_234 : memref<4x8x128xf32, #tpu.memory_space<hbm>>)
      %parallel_loop3A_235 = arith.constant 0 : i32
      %parallel_loop3A_236 = arith.constant 32 : i32
      %parallel_loop3A_237 = arith.constant 1 : i32
      scf.for %parallel_loop3A_253 = %parallel_loop3A_235 to %parallel_loop3A_236 step %parallel_loop3A_237  : i32 {
        %parallel_loop3A_254 = vector.broadcast %parallel_loop3A_253 : i32 to vector<16xi32>
        %parallel_loop3A_255 = arith.constant 3 : i32
        %parallel_loop3A_256 = arith.shrui %parallel_loop3A_253, %parallel_loop3A_255 : i32
        %parallel_loop3A_257 = arith.constant 7 : i32
        %parallel_loop3A_258 = arith.andi %parallel_loop3A_253, %parallel_loop3A_257 : i32
        %parallel_loop3A_259 = tpu.vector_load_idx %arg9[%add3A_5, %parallel_loop3A_254] : memref<128x32xf32, #tpu.memory_space<vmem>>[vector<16xi32>, vector<16xi32>], vector<16xf32>,
        %parallel_loop3A_260 = arith.index_cast %parallel_loop3A_256 : i32 to index
        %parallel_loop3A_261 = arith.index_cast %parallel_loop3A_258 : i32 to index
        %parallel_loop3A_262 = arith.constant 0 : index
        %parallel_loop3A_263 = tpu.vector_load %arg11[%parallel_loop3A_260, %parallel_loop3A_261, %parallel_loop3A_262] {strides = array<i32>} : memref<4x8x128xf32, #tpu.memory_space<vmem>>, vector<16xf32>,
        tpu.vector_store %arg11[%parallel_loop3A_260, %parallel_loop3A_261, %parallel_loop3A_262], %parallel_loop3A_259 {strides = array<i32>} : memref<4x8x128xf32, #tpu.memory_space<vmem>>, vector<16xf32>,
        %parallel_loop3A_264 = tpu.vector_load_idx %arg9[%add3A_8, %parallel_loop3A_254] : memref<128x32xf32, #tpu.memory_space<vmem>>[vector<16xi32>, vector<16xi32>], vector<16xf32>,
        %parallel_loop3A_265 = arith.index_cast %parallel_loop3A_256 : i32 to index
        %parallel_loop3A_266 = arith.index_cast %parallel_loop3A_258 : i32 to index
        %parallel_loop3A_267 = arith.constant 16 : index
        %parallel_loop3A_268 = tpu.vector_load %arg11[%parallel_loop3A_265, %parallel_loop3A_266, %parallel_loop3A_267] {strides = array<i32>} : memref<4x8x128xf32, #tpu.memory_space<vmem>>, vector<16xf32>,
        tpu.vector_store %arg11[%parallel_loop3A_265, %parallel_loop3A_266, %parallel_loop3A_267], %parallel_loop3A_264 {strides = array<i32>} : memref<4x8x128xf32, #tpu.memory_space<vmem>>, vector<16xf32>,
        %parallel_loop3A_269 = tpu.vector_load_idx %arg9[%add3A_11, %parallel_loop3A_254] : memref<128x32xf32, #tpu.memory_space<vmem>>[vector<16xi32>, vector<16xi32>], vector<16xf32>,
        %parallel_loop3A_270 = arith.index_cast %parallel_loop3A_256 : i32 to index
        %parallel_loop3A_271 = arith.index_cast %parallel_loop3A_258 : i32 to index
        %parallel_loop3A_272 = arith.constant 32 : index
        %parallel_loop3A_273 = tpu.vector_load %arg11[%parallel_loop3A_270, %parallel_loop3A_271, %parallel_loop3A_272] {strides = array<i32>} : memref<4x8x128xf32, #tpu.memory_space<vmem>>, vector<16xf32>,
        tpu.vector_store %arg11[%parallel_loop3A_270, %parallel_loop3A_271, %parallel_loop3A_272], %parallel_loop3A_269 {strides = array<i32>} : memref<4x8x128xf32, #tpu.memory_space<vmem>>, vector<16xf32>,
        %parallel_loop3A_274 = tpu.vector_load_idx %arg9[%add3A_14, %parallel_loop3A_254] : memref<128x32xf32, #tpu.memory_space<vmem>>[vector<16xi32>, vector<16xi32>], vector<16xf32>,
        %parallel_loop3A_275 = arith.index_cast %parallel_loop3A_256 : i32 to index
        %parallel_loop3A_276 = arith.index_cast %parallel_loop3A_258 : i32 to index
        %parallel_loop3A_277 = arith.constant 48 : index
        %parallel_loop3A_278 = tpu.vector_load %arg11[%parallel_loop3A_275, %parallel_loop3A_276, %parallel_loop3A_277] {strides = array<i32>} : memref<4x8x128xf32, #tpu.memory_space<vmem>>, vector<16xf32>,
        tpu.vector_store %arg11[%parallel_loop3A_275, %parallel_loop3A_276, %parallel_loop3A_277], %parallel_loop3A_274 {strides = array<i32>} : memref<4x8x128xf32, #tpu.memory_space<vmem>>, vector<16xf32>,
        %parallel_loop3A_279 = tpu.vector_load_idx %arg9[%add3A_17, %parallel_loop3A_254] : memref<128x32xf32, #tpu.memory_space<vmem>>[vector<16xi32>, vector<16xi32>], vector<16xf32>,
        %parallel_loop3A_280 = arith.index_cast %parallel_loop3A_256 : i32 to index
        %parallel_loop3A_281 = arith.index_cast %parallel_loop3A_258 : i32 to index
        %parallel_loop3A_282 = arith.constant 64 : index
        %parallel_loop3A_283 = tpu.vector_load %arg11[%parallel_loop3A_280, %parallel_loop3A_281, %parallel_loop3A_282] {strides = array<i32>} : memref<4x8x128xf32, #tpu.memory_space<vmem>>, vector<16xf32>,
        tpu.vector_store %arg11[%parallel_loop3A_280, %parallel_loop3A_281, %parallel_loop3A_282], %parallel_loop3A_279 {strides = array<i32>} : memref<4x8x128xf32, #tpu.memory_space<vmem>>, vector<16xf32>,
        %parallel_loop3A_284 = tpu.vector_load_idx %arg9[%add3A_20, %parallel_loop3A_254] : memref<128x32xf32, #tpu.memory_space<vmem>>[vector<16xi32>, vector<16xi32>], vector<16xf32>,
        %parallel_loop3A_285 = arith.index_cast %parallel_loop3A_256 : i32 to index
        %parallel_loop3A_286 = arith.index_cast %parallel_loop3A_258 : i32 to index
        %parallel_loop3A_287 = arith.constant 80 : index
        %parallel_loop3A_288 = tpu.vector_load %arg11[%parallel_loop3A_285, %parallel_loop3A_286, %parallel_loop3A_287] {strides = array<i32>} : memref<4x8x128xf32, #tpu.memory_space<vmem>>, vector<16xf32>,
        tpu.vector_store %arg11[%parallel_loop3A_285, %parallel_loop3A_286, %parallel_loop3A_287], %parallel_loop3A_284 {strides = array<i32>} : memref<4x8x128xf32, #tpu.memory_space<vmem>>, vector<16xf32>,
        %parallel_loop3A_289 = tpu.vector_load_idx %arg9[%add3A_23, %parallel_loop3A_254] : memref<128x32xf32, #tpu.memory_space<vmem>>[vector<16xi32>, vector<16xi32>], vector<16xf32>,
        %parallel_loop3A_290 = arith.index_cast %parallel_loop3A_256 : i32 to index
        %parallel_loop3A_291 = arith.index_cast %parallel_loop3A_258 : i32 to index
        %parallel_loop3A_292 = arith.constant 96 : index
        %parallel_loop3A_293 = tpu.vector_load %arg11[%parallel_loop3A_290, %parallel_loop3A_291, %parallel_loop3A_292] {strides = array<i32>} : memref<4x8x128xf32, #tpu.memory_space<vmem>>, vector<16xf32>,
        tpu.vector_store %arg11[%parallel_loop3A_290, %parallel_loop3A_291, %parallel_loop3A_292], %parallel_loop3A_289 {strides = array<i32>} : memref<4x8x128xf32, #tpu.memory_space<vmem>>, vector<16xf32>,
        %parallel_loop3A_294 = tpu.vector_load_idx %arg9[%add3A_26, %parallel_loop3A_254] : memref<128x32xf32, #tpu.memory_space<vmem>>[vector<16xi32>, vector<16xi32>], vector<16xf32>,
        %parallel_loop3A_295 = arith.index_cast %parallel_loop3A_256 : i32 to index
        %parallel_loop3A_296 = arith.index_cast %parallel_loop3A_258 : i32 to index
        %parallel_loop3A_297 = arith.constant 112 : index
        %parallel_loop3A_298 = tpu.vector_load %arg11[%parallel_loop3A_295, %parallel_loop3A_296, %parallel_loop3A_297] {strides = array<i32>} : memref<4x8x128xf32, #tpu.memory_space<vmem>>, vector<16xf32>,
        tpu.vector_store %arg11[%parallel_loop3A_295, %parallel_loop3A_296, %parallel_loop3A_297], %parallel_loop3A_294 {strides = array<i32>} : memref<4x8x128xf32, #tpu.memory_space<vmem>>, vector<16xf32>,
      } {sc.loop_unroll_factor = 4 : i64, sc.parallel_access}
      %add3A_238 = arith.addi %mul3A_2, %add3A_206 : i32
      %shift_right_logical3A_239 = arith.constant 7 : i32
      %shift_right_logical3A_240 = arith.shrui %add3A_238, %shift_right_logical3A_239 : i32
      %and3A_241 = arith.constant 127 : i32
      %and3A_242 = arith.andi %add3A_238, %and3A_241 : i32
      %dma_start3A_243 = arith.constant 0 : i32
      %dma_start3A_244 = arith.constant 0 : i32
      %dma_start3A_245 = arith.constant 0 : i32
      %dma_start3A_246 = tpu.memref_slice %arg4[%shift_right_logical3A_240, %dma_start3A_243, %and3A_242, %dma_start3A_244, %dma_start3A_245] : memref<200x4x128x8x128xf32, #tpu.memory_space<hbm>> -> memref<1x4x1x8x128xf32, #tpu.memory_space<hbm>>
      %dma_start3A_247 = tpu.memref_squeeze %dma_start3A_246 : memref<1x4x1x8x128xf32, #tpu.memory_space<hbm>> -> memref<4x8x128xf32, #tpu.memory_space<hbm>>
      %dma_start3A_248 = arith.constant 0 : i32
      %dma_start3A_249 = arith.constant 0 : i32
      %dma_start3A_250 = arith.constant 0 : i32
      %dma_start3A_251 = tpu.memref_slice %arg4[%shift_right_logical3A_240, %dma_start3A_248, %and3A_242, %dma_start3A_249, %dma_start3A_250] : memref<200x4x128x8x128xf32, #tpu.memory_space<hbm>> -> memref<1x4x1x8x128xf32, #tpu.memory_space<hbm>>
      %dma_start3A_252 = tpu.memref_squeeze %dma_start3A_251 : memref<1x4x1x8x128xf32, #tpu.memory_space<hbm>> -> memref<4x8x128xf32, #tpu.memory_space<hbm>>
      tpu.enqueue_dma source(%arg11 : memref<4x8x128xf32, #tpu.memory_space<vmem>>) target(%dma_start3A_252 : memref<4x8x128xf32, #tpu.memory_space<hbm>>) target_semaphore(%arg13 : memref<!tpu.dma_semaphore, #tpu.memory_space<semaphore_mem>>)
    }
    %scan3A_51 = arith.constant 200 : i32
    %add3A_52 = arith.constant 800 : i32
    %add3A_53 = arith.addi %mul3A_2, %add3A_52 : i32
    %sub3A = arith.constant 2 : i32
    %sub3A_54 = arith.subi %add3A_53, %sub3A : i32
    %shift_right_logical3A = arith.constant 7 : i32
    %shift_right_logical3A_55 = arith.shrui %sub3A_54, %shift_right_logical3A : i32
    %and3A = arith.constant 127 : i32
    %and3A_56 = arith.andi %sub3A_54, %and3A : i32
    %dma_wait3A = arith.constant 0 : i32
    %dma_wait3A_57 = arith.constant 0 : i32
    %dma_wait3A_58 = arith.constant 0 : i32
    %dma_wait3A_59 = tpu.memref_slice %arg4[%shift_right_logical3A_55, %dma_wait3A, %and3A_56, %dma_wait3A_57, %dma_wait3A_58] : memref<200x4x128x8x128xf32, #tpu.memory_space<hbm>> -> memref<1x4x1x8x128xf32, #tpu.memory_space<hbm>>
    %dma_wait3A_60 = tpu.memref_squeeze %dma_wait3A_59 : memref<1x4x1x8x128xf32, #tpu.memory_space<hbm>> -> memref<4x8x128xf32, #tpu.memory_space<hbm>>
    %dma_wait3A_61 = arith.constant 0 : i32
    %dma_wait3A_62 = arith.constant 0 : i32
    %dma_wait3A_63 = arith.constant 0 : i32
    %dma_wait3A_64 = tpu.memref_slice %arg4[%shift_right_logical3A_55, %dma_wait3A_61, %and3A_56, %dma_wait3A_62, %dma_wait3A_63] : memref<200x4x128x8x128xf32, #tpu.memory_space<hbm>> -> memref<1x4x1x8x128xf32, #tpu.memory_space<hbm>>
    %dma_wait3A_65 = tpu.memref_squeeze %dma_wait3A_64 : memref<1x4x1x8x128xf32, #tpu.memory_space<hbm>> -> memref<4x8x128xf32, #tpu.memory_space<hbm>>
    tpu.wait_dma2 semaphore(%arg13 : memref<!tpu.dma_semaphore, #tpu.memory_space<semaphore_mem>>) src(%arg10 : memref<4x8x128xf32, #tpu.memory_space<vmem>>) dst(%dma_wait3A_65 : memref<4x8x128xf32, #tpu.memory_space<hbm>>)
    %add3A_66 = arith.constant 800 : i32
    %add3A_67 = arith.addi %mul3A_2, %add3A_66 : i32
    %sub3A_68 = arith.constant 1 : i32
    %sub3A_69 = arith.subi %add3A_67, %sub3A_68 : i32
    %shift_right_logical3A_70 = arith.constant 7 : i32
    %shift_right_logical3A_71 = arith.shrui %sub3A_69, %shift_right_logical3A_70 : i32
    %and3A_72 = arith.constant 127 : i32
    %and3A_73 = arith.andi %sub3A_69, %and3A_72 : i32
    %dma_wait3A_74 = arith.constant 0 : i32
    %dma_wait3A_75 = arith.constant 0 : i32
    %dma_wait3A_76 = arith.constant 0 : i32
    %dma_wait3A_77 = tpu.memref_slice %arg4[%shift_right_logical3A_71, %dma_wait3A_74, %and3A_73, %dma_wait3A_75, %dma_wait3A_76] : memref<200x4x128x8x128xf32, #tpu.memory_space<hbm>> -> memref<1x4x1x8x128xf32, #tpu.memory_space<hbm>>
    %dma_wait3A_78 = tpu.memref_squeeze %dma_wait3A_77 : memref<1x4x1x8x128xf32, #tpu.memory_space<hbm>> -> memref<4x8x128xf32, #tpu.memory_space<hbm>>
    %dma_wait3A_79 = arith.constant 0 : i32
    %dma_wait3A_80 = arith.constant 0 : i32
    %dma_wait3A_81 = arith.constant 0 : i32
    %dma_wait3A_82 = tpu.memref_slice %arg4[%shift_right_logical3A_71, %dma_wait3A_79, %and3A_73, %dma_wait3A_80, %dma_wait3A_81] : memref<200x4x128x8x128xf32, #tpu.memory_space<hbm>> -> memref<1x4x1x8x128xf32, #tpu.memory_space<hbm>>
    %dma_wait3A_83 = tpu.memref_squeeze %dma_wait3A_82 : memref<1x4x1x8x128xf32, #tpu.memory_space<hbm>> -> memref<4x8x128xf32, #tpu.memory_space<hbm>>
    tpu.wait_dma2 semaphore(%arg13 : memref<!tpu.dma_semaphore, #tpu.memory_space<semaphore_mem>>) src(%arg11 : memref<4x8x128xf32, #tpu.memory_space<vmem>>) dst(%dma_wait3A_83 : memref<4x8x128xf32, #tpu.memory_space<hbm>>)
    return
  }
}

</mosaic_0001>

<sc_bundles>
// kernel: kernel.3.cloned.1.call-start
scs
__scs_entry_jumppad:
0x0: {  	(pc) =	sbr.rel $0x88, $3  }
0x1: {  	(tag) =	ssettag $0x0;
	lr =	simm.s32 $0x1  }
0x2: {  	[smem:$0x3F9F] =	sst lr;
	_ =	strace $0xD0000000  }
0x3: {  	_ = 	snop  }
0x4: {  	_ = 	snop  }
0x5: {  	_ = 	snop  }
0x6: {  	_ = 	snop  }
0x7: {  	_ = 	snop  }
__scs_overlays_trampoline_lowered:
0x8: {  	[smem:$0x3FAE] =	sst s0  }
0x9: {  	[smem:$0x3FAF] =	sst s1  }
0xa: {  	[smem:$0x3FB0] =	sst s2  }
0xb: {  	[smem:$0x3FB1] =	sst s3  }
0xc: {  	[smem:$0x3FB2] =	sst s4  }
0xd: {  	[smem:$0x3FB3] =	sst s5  }
0xe: {  	[smem:$0x3FB4] =	sst s6  }
0xf: {  	[smem:$0x3FB5] =	sst s7  }
0x10: {  	[smem:$0x3FB6] =	sst s8  }
0x11: {  	[smem:$0x3FB7] =	sst s9;
	s0 =	simm.s32 @!p0 $0x0  }
0x12: {  	s1 =	sld [smem:$0x3F9D];
	s0 =	simm.s32 @p0 $0x1  }
0x13: {  	[smem:$0x3FB8] =	sst s0;
	s0 =	simm.s32 @!p1 $0x0  }
0x14: {  	s2 =	sld [smem:$0x3F9C];
	s0 =	simm.s32 @p1 $0x1  }
0x15: {  	[smem:$0x3FB9] =	sst s0;
	s0 =	simm.s32 @!p2 $0x0  }
0x16: {  	s3 =	sld [smem:$0x3FDB];
	s0 =	simm.s32 @p2 $0x1  }
0x17: {  	s4 =	simm.s32 $0x1BF5;
	[smem:$0x3FBB] =	sst s0  }
0x18: {  	s0 =	sld [smem:$0x3F9E];
	_ =	swait.ge [sflag:s4], $0x0  }
0x19: {  	s7 =	sld [smem:$0x3F9F]  }
0x1a: {  	s8 =	sadd.s32 $0xFFFFE003, lr  }
0x1b: {  	s9 =	sadd.s32 $0xFFFFFEF7, lr;
	s5 =	simm.s32 $0xFFFFFFFF;
	p2 =	slt.u32 s8, $0xFFFFF086  }
0x1c: {  	p1 =	slt.u32 s9, $0xF7A;
	s5 =	simm.s32 @!p2 $0x0  }
0x1d: {  	s5 =	simm.s32 @p1 $0x1;
	p0 =	seq.s32 s7, s2  }
0x1e: {  	s7 =	smul.u32 @!p0 $0xF7A, s2;
	p2 =	seq.s32 @!p0 s5, $0x0  }
0x1f: {  	s9 =	smul.u32 $0xF7A, s1;
	s8 =	simm.s32 @!p0 $0x1BF5;
	p2 =	por !p2, p0  }
0x20: {  	[sflag:s8] =	ssyncset.s32 @!p0 $0xFFFFF086;
	s6 =	sadd.s32 @!p0 s3, s7;
	s7 =	simm.s32 @!p0 $0x108  }
0x21: {  	s3 =	sadd.s32 s3, s9;
	s6 =	sadd.s32 @!p0 $0x88, s6;
	s7 =	simm.s32 @p2 $0x1082  }
0x22: {  	[simem:s7], [sflag:s8] =	dma.local @!p0 [hbm:s6], $0xF7A  }
0x23: {  	s9 =	sor.u32 $0xD0000000, s2;
	s6 =	simm.s32 $0x108;
	_ =	swait.ge @!p0 [sflag:s8], $0x0  }
0x24: {  	s3 =	sadd.s32 $0x88, s3;
	s6 =	simm.s32 @!p1 $0x1082;
	[sflag:s4] =	ssyncset.s32 $0xFFFFF086  }
0x25: {  	[simem:s6], [sflag:s4] =	dma.local [hbm:s3], $0xF7A  }
0x26: {  	[smem:$0x3F9F] =	sst s1;
	(tag) =	ssettag s2;
	_ =	strace s9  }
0x27: {  	s1 =	sld [smem:$0x3FAF]  }
0x28: {  	s2 =	sld [smem:$0x3FB0]  }
0x29: {  	s4 =	sld [smem:$0x3FB2]  }
0x2a: {  	p0 =	seq.s32 s5, $0x0;
	s5 =	sld [smem:$0x3FB3]  }
0x2b: {  	s6 =	sld [smem:$0x3FB4]  }
0x2c: {  	s7 =	sld [smem:$0x3FB5]  }
0x2d: {  	s3 =	simm.s32 $0x108;
	s8 =	sld [smem:$0x3FB6]  }
0x2e: {  	s3 =	simm.s32 @!p0 $0x1082;
	s9 =	sld [smem:$0x3FB7]  }
0x2f: {  	lr =	sadd.s32 s0, s3;
	s0 =	sld [smem:$0x3FAE]  }
0x30: {  	s3 =	sld [smem:$0x3FB1]  }
0x31: {  	[smem:$0x3FBA] =	sst s10  }
0x32: {  	s10 =	sld [smem:$0x3FB8];
	_ =	sdelay $0x3  }
0x33: {  	p0 =	seq.s32 s10, $0x1;
	s10 =	sld [smem:$0x3FBA];
	_ =	sdelay $0x3  }
0x34: {  	[smem:$0x3FBA] =	sst s10  }
0x35: {  	s10 =	sld [smem:$0x3FB9];
	_ =	sdelay $0x3  }
0x36: {  	p1 =	seq.s32 s10, $0x1;
	s10 =	sld [smem:$0x3FBA];
	_ =	sdelay $0x3  }
0x37: {  	[smem:$0x3FBA] =	sst s10  }
0x38: {  	s10 =	sld [smem:$0x3FBB]  }
0x39: {  	_ = 	snop;
	(pc) =	sbr.ind lr, $3  }
0x3a: {  	_ = 	snop  }
0x3b: {  	_ = 	snop  }
0x3c: {  	p2 =	seq.s32 s10, $0x1;
	s10 =	sld [smem:$0x3FBA]  }
0x3d: {  	_ =	shalt  }
0x3e: {  	_ =	shalt  }
0x3f: {  	_ =	shalt  }
0x40: {  	_ =	shalt  }
0x41: {  	_ =	shalt  }
0x42: {  	_ =	shalt  }
0x43: {  	_ =	shalt  }
0x44: {  	_ =	shalt  }
0x45: {  	_ =	shalt  }
0x46: {  	_ =	shalt  }
0x47: {  	_ =	shalt  }
0x48: {  	_ =	shalt  }
0x49: {  	_ =	shalt  }
0x4a: {  	_ =	shalt  }
0x4b: {  	_ =	shalt  }
0x4c: {  	_ =	shalt  }
0x4d: {  	_ =	shalt  }
0x4e: {  	_ =	shalt  }
0x4f: {  	_ =	shalt  }
0x50: {  	_ =	shalt  }
0x51: {  	_ =	shalt  }
0x52: {  	_ =	shalt  }
0x53: {  	_ =	shalt  }
0x54: {  	_ =	shalt  }
0x55: {  	_ =	shalt  }
0x56: {  	_ =	shalt  }
0x57: {  	_ =	shalt  }
0x58: {  	_ =	shalt  }
0x59: {  	_ =	shalt  }
0x5a: {  	_ =	shalt  }
0x5b: {  	_ =	shalt  }
0x5c: {  	_ =	shalt  }
0x5d: {  	_ =	shalt  }
0x5e: {  	_ =	shalt  }
0x5f: {  	_ =	shalt  }
0x60: {  	_ =	shalt  }
0x61: {  	_ =	shalt  }
0x62: {  	_ =	shalt  }
0x63: {  	_ =	shalt  }
0x64: {  	_ =	shalt  }
0x65: {  	_ =	shalt  }
0x66: {  	_ =	shalt  }
0x67: {  	_ =	shalt  }
0x68: {  	_ =	shalt  }
0x69: {  	_ =	shalt  }
0x6a: {  	_ =	shalt  }
0x6b: {  	_ =	shalt  }
0x6c: {  	_ =	shalt  }
0x6d: {  	_ =	shalt  }
0x6e: {  	_ =	shalt  }
0x6f: {  	_ =	shalt  }
0x70: {  	_ =	shalt  }
0x71: {  	_ =	shalt  }
0x72: {  	_ =	shalt  }
0x73: {  	_ =	shalt  }
0x74: {  	_ =	shalt  }
0x75: {  	_ =	shalt  }
0x76: {  	_ =	shalt  }
0x77: {  	_ =	shalt  }
0x78: {  	_ =	shalt  }
0x79: {  	_ =	shalt  }
0x7a: {  	_ =	shalt  }
0x7b: {  	_ =	shalt  }
0x7c: {  	_ =	shalt  }
0x7d: {  	_ =	shalt  }
0x7e: {  	_ =	shalt  }
0x7f: {  	_ =	shalt  }
0x80: {  	_ =	shalt  }
0x81: {  	_ =	shalt  }
0x82: {  	_ =	shalt  }
0x83: {  	_ =	shalt  }
0x84: {  	_ =	shalt  }
0x85: {  	_ =	shalt  }
0x86: {  	_ =	shalt  }
0x87: {  	_ =	shalt  }
.Lfunc_end0:
.L_simem_size_0:
called_computation_lowered:
.L_overlay_start_0:
0x88: {  	s2 =	sld [smem:$0x3FD9]  }
0x89: {  	s3 =	sld [smem:$0x3FFE];
	_ =	sdelay $0x1  }
0x8a: {  	s1 =	srdreg.scid  }
0x8b: {  	s0 =	sand.u32 $0x1, s1  }
0x8c: {  	s17 =	sshll.u32 s0, $0xA;
	s2 =	sadd.s32 s3, s2  }
0x8d: {  	s2 =	sadd.s32 s2, s17  }
0x8e: {  	[smem:$0x3FC6] =	sst s2  }
0x8f: {  	_ = 	snop  }
0x90: {  	s2 =	sld [smem:$0x3FD0];
	(tm) =	ssettm $0x1  }
0x91: {  	s18 =	sld [smem:$0x3FFB];
	_ =	sdelay $0x3  }
0x92: {  	_ =	strace s18  }
0x93: {  	s3 =	sld [smem:$0x3FFC];
	_ =	sdelay $0x3  }
0x94: {  	_ =	strace s3  }
0x95: {  	s3 =	sld [smem:$0x3FFD];
	_ =	sdelay $0x3  }
0x96: {  	_ =	strace s3  }
0x97: {  	_ =	strace $0x8FFFFFFF  }
0x98: {  	s19 =	sld [smem:$0x3FDB];
	_ =	sdelay $0x1  }
0x99: {  	s4 =	simm.s32 $_scs_section_size  }
0x9a: {  	s5 =	simm.s32 $_size__tile_overlayer_lowered;
	s6 =	simm.s32 $_tile_overlayer_lowered  }
0x9b: {  	s22 =	simm.s32 $0x1BFF;
	s21 =	sshll.u32 s6, $0x1;
	s3 =	sadd.s32 s4, s19  }
0x9c: {  	s7 =	simm.s32 $0x0;
	s20 =	sshll.u32 s5, $0x1;
	s5 =	sadd.s32 s21, s3  }
0x9d: {  	[timem:s7], [sflag:s22] =	dma.local [hbm:s5], s20  }
0x9e: {  	_ =	swait.ge [sflag:s22], s20  }
0x9f: {  	s4 =	ssub.s32 $0x0, s20;
	[sflag:s22] =	ssyncset.done $0x0  }
0xa0: {  	[sflag:s22] =	ssyncadd.s32 s4;
	_ =	sdelay $0x1  }
0xa1: {  	s23 =	simm.s32 $0x1B8B  }
0xa2: {  	_ =	swait.ge [sflag:s23], $0x1  }
0xa3: {  	[sflag:s23] =	ssyncset.done $0x0  }
0xa4: {  	s25 =	simm.s32 $0x1B8E;
	s24 =	sld [smem:$0x3FFE];
	[sflag:s23] =	ssyncadd.s32 $0xFFFFFFFF  }
0xa5: {  	s26 =	simm.s32 $execute0_lowered;
	[smem:$0x3FD2] =	sst s25  }
0xa6: {  	s5 =	sshll.u32 s26, $0x1;
	_ =	strace $0x80000046;
	[dreg:$0x1] =	wrdreg $0xFFFFFFFF  }
0xa7: {  	s28 =	simm.s32 $_size_execute0_lowered;
	s3 =	sadd.s32 s3, s5;
	[dreg:$0x0] =	wrdreg $0x0  }
0xa8: {  	s5 =	sshll.u32 s28, $0x1;
	[dreg:$0x2] =	wrdreg s3  }
0xa9: {  	[dreg:$0x3] =	wrdreg s5  }
0xaa: {  	[dreg:$0x4] =	wrdreg $0xC0  }
0xab: {  	_ =	task [dreg:s7], $0x5FFFF  }
0xac: {  	[dreg:$0x1] =	wrdreg $0xFFFFFFFF  }
0xad: {  	[dreg:$0x0] =	wrdreg $0x60  }
0xae: {  	[dreg:$0x2] =	wrdreg s24  }
0xaf: {  	[dreg:$0x3] =	wrdreg s2  }
0xb0: {  	[dreg:$0x4] =	wrdreg $0x9  }
0xb1: {  	_ =	task.clear_ibuf [dreg:s7], $0x5FFFF;
	_ =	strace $0x90000046  }
0xb2: {  	s29 =	simm.s32 $0x9;
	_ =	strace $0x80000048  }
0xb3: {  	_ =	swait.ge [sflag:s29], $0x1  }
0xb4: {  	[sflag:s29] =	ssyncadd.s32 $0xFFFFFFFF  }
0xb5: {  	_ =	strace $0x90000048  }
0xb6: {  	_ =	sfence  }
0xb7: {  	s30 =	sld [smem:$0x0];
	_ =	sdelay $0x2  }
0xb8: {  	s31 =	sshll.u32 s1, $0xD;
	s1 =	sshrl.u32 s1, $0x2  }
0xb9: {  	s3 =	sand.u32 $0x4000, s31;
	s1 =	sadd.s32 s1, s30  }
0xba: {  	s0 =	sor.u32 s3, s0;
	s1 =	sshll.u32 s1, $0x11  }
0xbb: {  	s0 =	sor.u32 s1, s0  }
0xbc: {  	s0 =	sadd.s32 $0x8F2B, s0  }
0xbd: {  	[sflag:s0] =	ssyncadd.remote.s32 $0x1  }
0xbe: {  	_ =	sfence.sel $0xFFFF  }
0xbf: {  	[dreg:$0x0] =	wrdreg $0xFFFFFFFF;
	(pc) =	sbr.abs _section_cstart, $3  }
0xc0: {  	[dreg:$0x1] =	wrdreg $0xFFFFFFFF  }
0xc1: {  	_ =	task.clear_ibuf [dreg:s7], $0x2FFFF;
	_ =	strace $0x9FFFFFFF  }
0xc2: {  	(tm) =	ssettm $0x7FFFFFFF  }
0xc3: {  	_ =	shalt  }
tec
execute0_lowered:
.L_overlay_start_1:
0x0: {  	(tag) =	ssettag $0x1  }
0x1: {  	s0 =	rddreg [dreg:$0x0];
	s1 =	srdreg.scid  }
0x2: {  	s3 =	stileid.u32;
	s2 =	rddreg [dreg:$0x1]  }
0x3: {  	s4 =	simm.s32 $0x0;
	s10 =	simm.s32 $0x19000;
	s11 =	simm.s32 $0x1A000  }
0x4: {  	s13 =	simm.s32 $0x1B000;
	s14 =	simm.s32 $0x1;
	s15 =	simm.s32 $0x1C000  }
0x5: {  	s16 =	simm.s32 $0x400;
	s1 =	sand.u32 $0x1, s1;
	s3 =	sshll.u32 s3, $0x1  }
0x6: {  	v0 =	vlaneseq.u32;
	s17 =	simm.s32 $0x20000;
	s3 =	sor.u32 s1, s3;
	s1 =	ssub.s32 $0x2, s1  }
0x7: {  	s21 =	simm.s32 $0x1D000;
	v0 =	vmul.u32 $0x20, v0;
	s5 =	smul.u32 $0x3200, s3;
	s30 =	sshrl.u32 s1, $0x1  }
0x8: {  	s20 =	simm.s32 $0x2;
	[smem:$0x7FF] =	sst s4;
	s1 =	ssub.s32 s1, s30  }
0x9: {  	s4 =	sadd.s32 $0xF42A00, s0;
	v1 =	vor.u32 $0x200, v0;
	s0 =	sadd.s32 s5, s0;
	s31 =	smax.u32 s1, $0x1  }
0xa: {  	_ =	strace $0x80000047;
	v2 =	vor.u32 $0x400, v0;
	v3 =	vor.u32 $0x600, v0;
	v4 =	vor.u32 $0x800, v0;
	s0 =	sadd.s32 $0x600, s0;
	[dreg:$0x4] =	wrdreg s31  }
0xb: {  	v5 =	vor.u32 $0xA00, v0;
	v6 =	vor.u32 $0xC00, v0;
	v7 =	vor.u32 $0xE00, v0;
	s5 =	smul.u32 $0x320, s3;
	s1 =	simm.s32 $0x0;
	[dreg:$0x3] =	wrdreg s0  }
.LBB2_1:
0xc: {  	[dreg:$0x5] =	wrdreg s1  }
0xd: {  	s0 =	simm.s32 $0x0;
	s28 =	rddreg [dreg:$0x3];
	s29 =	simm.s32 $0x3  }
0xe: {  	[tilespmem:s0], [sflag:$0x3] =	stream.linear.gather [hbm4b:s28+s0], $0x19000, $0x38;
	[tilespmem:$0x1F000] =	vst v63  }
0xf: {  	_ =	swait.ge [sflag:s29], $0x19000  }
0x10: {  	[sflag:s29] =	ssyncset.done $0x0  }
0x11: {  	s30 =	simm.s32 $0x80;
	[sflag:s29] =	ssyncadd.s32 $0xFFFE7000  }
0x12: {  	[tilespmem:s10], [sflag:$0x1] =	stream.indirect.gather [hbm4b:s4+s30], $0x20, s0, s30, $0xb8;
	[tilespmem:$0x1F000] =	vst v63  }
0x13: {  	_ = 	snop  }
0x14: {  	[tilespmem:s11], [sflag:$0x1] =	stream.indirect.gather [hbm4b:s4+s30], $0x20, s30, s30, $0xb8;
	[tilespmem:$0x1F000] =	vst v63  }
0x15: {  	s31 =	simm.s32 $0x100;
	s22 =	simm.s32 $0x0  }
0x16: {  	[tilespmem:s13], [sflag:$0x1] =	stream.indirect.gather [hbm4b:s4+s30], $0x20, s31, s30, $0xb8;
	[tilespmem:$0x1F000] =	vst v63  }
.LBB2_2:
0x17: {  	s0 =	simm.s32 $0x0  }
0x18: {  	s6 =	simm.s32 $0x1;
	v8 =	vmov s0  }
0x19: {  	v9 =	vmov s6;
	v8 =	vand.u32 $0x1C, v8  }
0x1a: {  	_ =	swait.ge [sflag:s14], $0x1000;
	s23 =	sshllo.u32 s22, $0x2;
	s8 =	simm.s32 $0x80;
	v15 =	vbroadcast v8, $0x0;
	v8 =	vand.u32 $0x1D, v9  }
0x1b: {  	p0 =	seq.s32 s22, $0x0;
	[sflag:s14] =	ssyncset.done $0x0;
	s1 =	sshll.u32 s23, $0x7;
	v17 =	vbroadcast v8, $0x0  }
0x1c: {  	s0 =	simm.s32 @!p0 $0x2;
	[sflag:s14] =	ssyncadd.s32 $0xFFFFF000;
	s7 =	sand.u32 $0x3FFFFF80, s1;
	v8 =	vor.u32 v0, v15  }
0x1d: {  	[tilespmem:s15], [sflag:$0x1] =	stream.indirect.gather [hbm4b:s4+s8], $0x20, s7, s8, $0xb8;
	v9 =	vor.u32 v0, v17;
	[tilespmem:$0x1F000] =	vst v63  }
0x1e: {  	_ =	swait.ge @!p0 [sflag:s0], $0x1000  }
0x1f: {  	[sflag:s0] =	ssyncset.done @!p0 $0x0  }
0x20: {  	[sflag:s0] =	ssyncadd.s32 @!p0 $0xFFFFF000  }
0x21: {  	v8 =	vld.idx.msk [tilespmem:v8+s10+$0x0], $0xffff  }
0x22: {  	s9 =	simm.s32 $0x2;
	v10 =	vor.u32 v1, v15;
	v9 =	vld.idx.msk [tilespmem:v9+s10+$0x0], $0xffff  }
0x23: {  	s12 =	simm.s32 $0x0;
	v11 =	vmov s9;
	v12 =	vor.u32 v1, v17  }
0x24: {  	s18 =	simm.s32 $0x80;
	v11 =	vand.u32 $0x1E, v11;
	s0 =	sand.u32 $0xC00, s12  }
0x25: {  	s26 =	simm.s32 $0x1D040;
	s1 =	sand.u32 $0x280, s18;
	v16 =	vbroadcast v11, $0x0;
	s0 =	sor.u32 $0x1D000, s0  }
0x26: {  	s19 =	simm.s32 $0x3;
	s3 =	sor.u32 s1, s0;
	[tilespmem:s26+$0xFFFFFFC0] =	vst v8  }
0x27: {  	v8 =	vor.u32 v0, v16;
	[tilespmem:s3+$0x0] =	vst v9;
	v9 =	vld.idx.msk [tilespmem:v10+s10+$0x0], $0xffff;
	v10 =	vmov s19  }
0x28: {  	v11 =	vld.idx.msk [tilespmem:v12+s10+$0x0], $0xffff;
	v12 =	vor.u32 v2, v15;
	v10 =	vand.u32 $0x1F, v10  }
0x29: {  	v13 =	vor.u32 v2, v17;
	v18 =	vbroadcast v10, $0x0;
	_ =	sdelay $0x1  }
0x2a: {  	s24 =	simm.s32 $0x4;
	v14 =	vor.u32 v0, v18  }
0x2b: {  	v19 =	vld.idx.msk [tilespmem:v8+s10+$0x0], $0xffff;
	v8 =	vmov s24;
	[tilespmem:s26+$0xFFFFFFD0] =	vst v9  }
0x2c: {  	s25 =	simm.s32 $0x5;
	v20 =	vor.u32 v1, v16;
	v8 =	vand.u32 $0x1C, v8;
	[tilespmem:s3+$0x10] =	vst v11;
	v11 =	vld.idx.msk [tilespmem:v12+s10+$0x0], $0xffff  }
0x2d: {  	s6 =	simm.s32 $0x100;
	s7 =	simm.s32 $0x6;
	v9 =	vmov s25;
	v8 =	vbroadcast v8, $0x0;
	v12 =	vld.idx.msk [tilespmem:v13+s10+$0x0], $0xffff;
	v13 =	vor.u32 v3, v15  }
0x2e: {  	s6 =	sand.u32 $0x300, s6;
	v22 =	vmov s7;
	v21 =	vor.u32 v3, v17;
	v9 =	vand.u32 $0x1D, v9  }
0x2f: {  	s31 =	sor.u32 s6, s0;
	v10 =	vbroadcast v9, $0x0;
	v9 =	vand.u32 $0x1E, v22;
	v22 =	vor.u32 v0, v8;
	v14 =	vld.idx.msk [tilespmem:v14+s10+$0x0], $0xffff  }
0x30: {  	v9 =	vbroadcast v9, $0x0;
	[tilespmem:s31+$0x0] =	vst v19;
	v19 =	vor.u32 v1, v18  }
0x31: {  	s8 =	simm.s32 $0x180;
	v23 =	vor.u32 v0, v10;
	v20 =	vld.idx.msk [tilespmem:v20+s10+$0x0], $0xffff;
	[tilespmem:s26+$0xFFFFFFE0] =	vst v11  }
0x32: {  	s1 =	sand.u32 $0x380, s8;
	v11 =	vor.u32 v0, v9;
	[tilespmem:s3+$0x20] =	vst v12;
	v12 =	vld.idx.msk [tilespmem:v13+s10+$0x0], $0xffff  }
0x33: {  	s30 =	sor.u32 s1, s0;
	v13 =	vld.idx.msk [tilespmem:v21+s10+$0x0], $0xffff;
	v21 =	vor.u32 v4, v15  }
0x34: {  	v24 =	vor.u32 v4, v17;
	v22 =	vld.idx.msk [tilespmem:v22+s10+$0x0], $0xffff;
	[tilespmem:s30+$0x0] =	vst v14  }
0x35: {  	v14 =	vor.u32 v2, v16;
	v19 =	vld.idx.msk [tilespmem:v19+s10+$0x0], $0xffff  }
0x36: {  	v25 =	vor.u32 v2, v18;
	v23 =	vld.idx.msk [tilespmem:v23+s10+$0x0], $0xffff  }
0x37: {  	v26 =	vor.u32 v1, v8;
	v11 =	vld.idx.msk [tilespmem:v11+s10+$0x0], $0xffff;
	[tilespmem:s26+$0xFFFFFFF0] =	vst v12  }
0x38: {  	s9 =	simm.s32 $0x200;
	v12 =	vor.u32 v1, v10;
	[tilespmem:s3+$0x30] =	vst v13;
	v13 =	vld.idx.msk [tilespmem:v21+s10+$0x0], $0xffff  }
0x39: {  	s12 =	simm.s32 $0x280;
	s0 =	sand.u32 $0xC00, s9;
	[tilespmem:s31+$0x10] =	vst v20;
	v21 =	vor.u32 v5, v15;
	v20 =	vld.idx.msk [tilespmem:v24+s10+$0x0], $0xffff  }
0x3a: {  	s1 =	sand.u32 $0x280, s12;
	s0 =	sor.u32 $0x1D000, s0;
	s24 =	simm.s32 $0x1D240;
	v24 =	vor.u32 v1, v9;
	v14 =	vld.idx.msk [tilespmem:v14+s10+$0x0], $0xffff;
	[tilespmem:s30+$0x10] =	vst v19  }
0x3b: {  	s18 =	simm.s32 $0x300;
	s29 =	sor.u32 s1, s0;
	[tilespmem:s24+$0xFFFFFFC0] =	vst v22;
	v19 =	vor.u32 v3, v16;
	v22 =	vld.idx.msk [tilespmem:v25+s10+$0x0], $0xffff  }
0x3c: {  	s19 =	sand.u32 $0x300, s18;
	[tilespmem:s29+$0x0] =	vst v23;
	v23 =	vld.idx.msk [tilespmem:v26+s10+$0x0], $0xffff;
	v25 =	vor.u32 v3, v18  }
0x3d: {  	s28 =	sor.u32 s19, s0;
	s25 =	simm.s32 $0x7;
	v12 =	vld.idx.msk [tilespmem:v12+s10+$0x0], $0xffff;
	[tilespmem:s26+$0x0] =	vst v13;
	v13 =	vor.u32 v5, v17  }
0x3e: {  	v27 =	vor.u32 v2, v10;
	v26 =	vmov s25;
	[tilespmem:s28+$0x0] =	vst v11;
	v21 =	vld.idx.msk [tilespmem:v21+s10+$0x0], $0xffff  }
0x3f: {  	v11 =	vand.u32 $0x1F, v26;
	v24 =	vld.idx.msk [tilespmem:v24+s10+$0x0], $0xffff;
	[tilespmem:s31+$0x20] =	vst v14;
	v14 =	vor.u32 v2, v8  }
0x40: {  	v11 =	vbroadcast v11, $0x0;
	v19 =	vld.idx.msk [tilespmem:v19+s10+$0x0], $0xffff;
	[tilespmem:s30+$0x20] =	vst v22;
	v22 =	vor.u32 v6, v15  }
0x41: {  	v28 =	vor.u32 v4, v16;
	[tilespmem:s3+$0x40] =	vst v20;
	v20 =	vld.idx.msk [tilespmem:v25+s10+$0x0], $0xffff  }
0x42: {  	s6 =	simm.s32 $0x8;
	v25 =	vor.u32 v0, v11;
	[tilespmem:s29+$0x10] =	vst v12;
	v26 =	vld.idx.msk [tilespmem:v13+s10+$0x0], $0xffff  }
0x43: {  	s7 =	simm.s32 $0x9;
	v29 =	vor.u32 v4, v18;
	[tilespmem:s24+$0xFFFFFFD0] =	vst v23;
	v12 =	vmov s6;
	v23 =	vld.idx.msk [tilespmem:v27+s10+$0x0], $0xffff  }
0x44: {  	v12 =	vand.u32 $0x1C, v12;
	v13 =	vmov s7;
	v27 =	vor.u32 v3, v10;
	[tilespmem:s26+$0x10] =	vst v21;
	v21 =	vld.idx.msk [tilespmem:v14+s10+$0x0], $0xffff  }
0x45: {  	v30 =	vor.u32 v6, v17;
	s8 =	simm.s32 $0xA;
	v12 =	vbroadcast v12, $0x0;
	v13 =	vand.u32 $0x1D, v13;
	[tilespmem:s31+$0x30] =	vst v19;
	v22 =	vld.idx.msk [tilespmem:v22+s10+$0x0], $0xffff  }
0x46: {  	v14 =	vmov s8;
	v13 =	vbroadcast v13, $0x0;
	v19 =	vor.u32 v3, v8;
	v28 =	vld.idx.msk [tilespmem:v28+s10+$0x0], $0xffff  }
0x47: {  	v14 =	vand.u32 $0x1E, v14;
	v25 =	vld.idx.msk [tilespmem:v25+s10+$0x0], $0xffff;
	[tilespmem:s30+$0x30] =	vst v20;
	v20 =	vor.u32 v0, v12  }
0x48: {  	v14 =	vbroadcast v14, $0x0;
	v31 =	vor.u32 v0, v13;
	[tilespmem:s29+$0x20] =	vst v23;
	v23 =	vld.idx.msk [tilespmem:v29+s10+$0x0], $0xffff  }
0x49: {  	v29 =	vor.u32 v1, v11;
	[tilespmem:s3+$0x50] =	vst v26;
	v27 =	vld.idx.msk [tilespmem:v27+s10+$0x0], $0xffff  }
0x4a: {  	s9 =	simm.s32 $0x380;
	v26 =	vor.u32 v0, v14;
	[tilespmem:s24+$0xFFFFFFE0] =	vst v21;
	v21 =	vld.idx.msk [tilespmem:v30+s10+$0x0], $0xffff  }
0x4b: {  	s1 =	sand.u32 $0x380, s9;
	[tilespmem:s28+$0x10] =	vst v24;
	v24 =	vor.u32 v4, v10;
	v19 =	vld.idx.msk [tilespmem:v19+s10+$0x0], $0xffff  }
0x4c: {  	s1 =	sor.u32 s1, s0;
	v17 =	vor.u32 v7, v17;
	[tilespmem:s31+$0x40] =	vst v28;
	v20 =	vld.idx.msk [tilespmem:v20+s10+$0x0], $0xffff  }
0x4d: {  	v28 =	vor.u32 v5, v16;
	[tilespmem:s1+$0x0] =	vst v25;
	v25 =	vld.idx.msk [tilespmem:v31+s10+$0x0], $0xffff  }
0x4e: {  	v30 =	vor.u32 v5, v18;
	v29 =	vld.idx.msk [tilespmem:v29+s10+$0x0], $0xffff;
	[tilespmem:s30+$0x40] =	vst v23  }
0x4f: {  	v23 =	vld.idx.msk [tilespmem:v26+s10+$0x0], $0xffff;
	v26 =	vor.u32 v4, v8;
	[tilespmem:s29+$0x30] =	vst v27  }
0x50: {  	s12 =	simm.s32 $0x400;
	v27 =	vor.u32 v1, v12;
	[tilespmem:s3+$0x60] =	vst v21;
	v24 =	vld.idx.msk [tilespmem:v24+s10+$0x0], $0xffff  }
0x51: {  	s18 =	sand.u32 $0xC00, s12;
	s0 =	simm.s32 $0x1D440;
	s7 =	simm.s32 $0x480;
	v21 =	vor.u32 v2, v9;
	[tilespmem:s24+$0xFFFFFFF0] =	vst v19;
	v17 =	vld.idx.msk [tilespmem:v17+s10+$0x0], $0xffff  }
0x52: {  	s6 =	sor.u32 $0x1D000, s18;
	s7 =	sand.u32 $0x280, s7;
	v19 =	vor.u32 v1, v13;
	[tilespmem:s0+$0xFFFFFFC0] =	vst v20;
	v20 =	vld.idx.msk [tilespmem:v28+s10+$0x0], $0xffff  }
0x53: {  	v15 =	vor.u32 v7, v15;
	s12 =	sor.u32 s7, s6;
	[tilespmem:s26+$0x20] =	vst v22;
	v28 =	vld.idx.msk [tilespmem:v30+s10+$0x0], $0xffff  }
0x54: {  	[tilespmem:s12+$0x0] =	vst v25;
	v25 =	vor.u32 v2, v11;
	v26 =	vld.idx.msk [tilespmem:v26+s10+$0x0], $0xffff  }
0x55: {  	v22 =	vor.u32 v6, v16;
	[tilespmem:s1+$0x10] =	vst v29;
	v30 =	vld.idx.msk [tilespmem:v27+s10+$0x0], $0xffff  }
0x56: {  	v27 =	vor.u32 v5, v8;
	v21 =	vld.idx.msk [tilespmem:v21+s10+$0x0], $0xffff;
	[tilespmem:s29+$0x40] =	vst v24  }
0x57: {  	v32 =	vor.u32 v5, v10;
	v29 =	vld.idx.msk [tilespmem:v19+s10+$0x0], $0xffff;
	[tilespmem:s3+$0x70] =	vst v17  }
0x58: {  	s19 =	simm.s32 $0x500;
	v24 =	vor.u32 v1, v14;
	v19 =	vld.idx.msk [tilespmem:v15+s10+$0x0], $0xffff;
	[tilespmem:s31+$0x50] =	vst v20  }
0x59: {  	v17 =	vor.u32 v3, v9;
	s3 =	sand.u32 $0x300, s19;
	v25 =	vld.idx.msk [tilespmem:v25+s10+$0x0], $0xffff;
	[tilespmem:s30+$0x50] =	vst v28  }
0x5a: {  	s3 =	sor.u32 s3, s6;
	v20 =	vor.u32 v6, v18;
	v22 =	vld.idx.msk [tilespmem:v22+s10+$0x0], $0xffff;
	[tilespmem:s24+$0x0] =	vst v26  }
0x5b: {  	s25 =	simm.s32 $0xB;
	[tilespmem:s3+$0x0] =	vst v23;
	v26 =	vor.u32 v3, v11;
	v23 =	vld.idx.msk [tilespmem:v27+s10+$0x0], $0xffff  }
0x5c: {  	v15 =	vmov s25;
	v28 =	vor.u32 v7, v16;
	[tilespmem:s28+$0x20] =	vst v21;
	v21 =	vld.idx.msk [tilespmem:v32+s10+$0x0], $0xffff  }
0x5d: {  	v33 =	vor.u32 v2, v13;
	v15 =	vand.u32 $0x1F, v15;
	[tilespmem:s0+$0xFFFFFFD0] =	vst v30;
	v31 =	vld.idx.msk [tilespmem:v24+s10+$0x0], $0xffff  }
0x5e: {  	v15 =	vbroadcast v15, $0x0;
	[tilespmem:s12+$0x10] =	vst v29;
	v27 =	vld.idx.msk [tilespmem:v17+s10+$0x0], $0xffff  }
0x5f: {  	v16 =	vor.u32 v4, v11;
	v29 =	vor.u32 v2, v12;
	[tilespmem:s1+$0x20] =	vst v25;
	v25 =	vld.idx.msk [tilespmem:v20+s10+$0x0], $0xffff  }
0x60: {  	v30 =	vor.u32 v0, v15;
	v20 =	vor.u32 v6, v8;
	v26 =	vld.idx.msk [tilespmem:v26+s10+$0x0], $0xffff;
	[tilespmem:s31+$0x60] =	vst v22  }
0x61: {  	v17 =	vor.u32 v2, v14;
	v22 =	vor.u32 v7, v18;
	v24 =	vld.idx.msk [tilespmem:v28+s10+$0x0], $0xffff;
	[tilespmem:s24+$0x10] =	vst v23  }
0x62: {  	s8 =	simm.s32 $0xC;
	s7 =	simm.s32 $0x580;
	s25 =	sshll.u32 s22, $0x2;
	v18 =	vor.u32 v4, v15;
	v23 =	vld.idx.msk [tilespmem:v33+s10+$0x0], $0xffff;
	v28 =	vor.u32 v4, v9;
	[tilespmem:s3+$0x10] =	vst v31  }
.LBB2_3:
0x63: {  	s18 =	sadd.s32 $0x1, s8  }
0x64: {  	v31 =	vmov s8;
	p0 =	slt.u32 s8, $0x1C;
	v29 =	vld.idx.msk [tilespmem:v29+s10+$0x0], $0xffff;
	v32 =	vor.u32 v6, v10;
	[tilespmem:s28+$0x30] =	vst v27;
	s9 =	smov.u32 s8;
	s8 =	sadd.s32 $0x4, s8  }
0x65: {  	v33 =	vor.u32 v3, v13;
	v27 =	vand.u32 $0x1C, v31;
	v31 =	vmov s18;
	s18 =	sadd.s32 $0x2, s9;
	v20 =	vld.idx.msk [tilespmem:v20+s10+$0x0], $0xffff;
	[tilespmem:s30+$0x60] =	vst v25  }
0x66: {  	v25 =	vbroadcast v27, $0x0;
	v27 =	vand.u32 $0x1D, v31;
	v31 =	vmov s18;
	[tilespmem:s1+$0x30] =	vst v26;
	v22 =	vld.idx.msk [tilespmem:v22+s10+$0x0], $0xffff  }
0x67: {  	v26 =	vbroadcast v27, $0x0;
	v27 =	vand.u32 $0x1E, v31;
	v31 =	vor.u32 v3, v12;
	v30 =	vld.idx.msk [tilespmem:v30+s10+$0x0], $0xffff;
	[tilespmem:s31+$0x70] =	vst v24;
	s31 =	smov.u32 s28;
	s28 =	smov.u32 s3  }
0x68: {  	v24 =	vor.u32 v0, v25;
	v27 =	vbroadcast v27, $0x0;
	v28 =	vld.idx.msk [tilespmem:v28+s10+$0x0], $0xffff;
	[tilespmem:s26+$0x30] =	vst v19;
	s26 =	smov.u32 s24;
	s24 =	smov.u32 s0  }
0x69: {  	v19 =	vor.u32 v0, v26;
	[tilespmem:s12+$0x20] =	vst v23;
	v23 =	vld.idx.msk [tilespmem:v16+s10+$0x0], $0xffff;
	v16 =	vmov v18  }
0x6a: {  	v34 =	vor.u32 v1, v15;
	v18 =	vor.u32 v0, v27;
	v33 =	vld.idx.msk [tilespmem:v33+s10+$0x0], $0xffff;
	[tilespmem:s29+$0x50] =	vst v21  }
0x6b: {  	s3 =	sand.u32 $0x380, s7;
	[tilespmem:s0+$0xFFFFFFE0] =	vst v29;
	v21 =	vld.idx.msk [tilespmem:v32+s10+$0x0], $0xffff  }
0x6c: {  	v29 =	vld.idx.msk [tilespmem:v31+s10+$0x0], $0xffff;
	v31 =	vor.u32 v4, v13;
	[tilespmem:s30+$0x70] =	vst v22;
	s30 =	smov.u32 s1;
	s1 =	sor.u32 s3, s6  }
0x6d: {  	v22 =	vld.idx.msk [tilespmem:v24+s10+$0x0], $0xffff;
	[tilespmem:s1+$0x0] =	vst v30;
	v24 =	vor.u32 v7, v10;
	v10 =	vmov v13;
	v13 =	vmov v26  }
0x6e: {  	v26 =	vor.u32 v5, v9;
	v19 =	vld.idx.msk [tilespmem:v19+s10+$0x0], $0xffff;
	[tilespmem:s31+$0x40] =	vst v28;
	v28 =	vor.u32 v5, v11  }
0x6f: {  	s7 =	sadd.s32 $0x200, s7;
	v30 =	vor.u32 v1, v25;
	v32 =	vld.idx.msk [tilespmem:v34+s10+$0x0], $0xffff;
	[tilespmem:s30+$0x40] =	vst v23  }
0x70: {  	s3 =	sadd.s32 $0xFFFFFE80, s7;
	v23 =	vor.u32 v1, v13;
	v34 =	vor.u32 v4, v12;
	v18 =	vld.idx.msk [tilespmem:v18+s10+$0x0], $0xffff;
	[tilespmem:s12+$0x30] =	vst v33  }
0x71: {  	s0 =	sadd.s32 $0x200, s0;
	s6 =	sadd.s32 $0xFFFFFF00, s7;
	s3 =	sand.u32 $0xC00, s3;
	v33 =	vor.u32 v1, v27;
	v31 =	vld.idx.msk [tilespmem:v31+s10+$0x0], $0xffff;
	[tilespmem:s29+$0x60] =	vst v21  }
0x72: {  	s18 =	sand.u32 $0x280, s6;
	s6 =	sor.u32 $0x1D000, s3;
	s3 =	sadd.s32 $0xFFFFFF80, s7;
	[tilespmem:s24+$0xFFFFFFF0] =	vst v29;
	v21 =	vld.idx.msk [tilespmem:v24+s10+$0x0], $0xffff  }
0x73: {  	s18 =	sor.u32 s18, s6;
	s3 =	sand.u32 $0x300, s3;
	[tilespmem:s0+$0xFFFFFFC0] =	vst v22;
	v22 =	vld.idx.msk [tilespmem:v26+s10+$0x0], $0xffff  }
0x74: {  	s3 =	sor.u32 s3, s6;
	[tilespmem:s18+$0x0] =	vst v19;
	v19 =	vor.u32 v2, v15;
	v24 =	vld.idx.msk [tilespmem:v28+s10+$0x0], $0xffff  }
0x75: {  	v26 =	vld.idx.msk [tilespmem:v34+s10+$0x0], $0xffff;
	[tilespmem:s26+$0x20] =	vst v20;
	v20 =	vor.u32 v6, v9  }
0x76: {  	v29 =	vor.u32 v7, v8;
	v8 =	vmov v12;
	v12 =	vmov v25;
	v28 =	vld.idx.msk [tilespmem:v30+s10+$0x0], $0xffff;
	[tilespmem:s1+$0x10] =	vst v32  }
0x77: {  	v25 =	vor.u32 v5, v8;
	v32 =	vor.u32 v2, v13;
	[tilespmem:s12+$0x40] =	vst v31;
	v30 =	vld.idx.msk [tilespmem:v17+s10+$0x0], $0xffff  }
0x78: {  	v17 =	vor.u32 v2, v27;
	v23 =	vld.idx.msk [tilespmem:v23+s10+$0x0], $0xffff;
	[tilespmem:s29+$0x70] =	vst v21;
	s29 =	smov.u32 s12;
	s12 =	smov.u32 s18  }
0x79: {  	v34 =	vor.u32 v6, v11;
	v21 =	vor.u32 v3, v14;
	v31 =	vld.idx.msk [tilespmem:v19+s10+$0x0], $0xffff;
	[tilespmem:s31+$0x50] =	vst v22  }
0x7a: {  	v35 =	vld.idx.msk [tilespmem:v20+s10+$0x0], $0xffff;
	[tilespmem:s30+$0x50] =	vst v24  }
0x7b: {  	v24 =	vor.u32 v3, v15;
	[tilespmem:s24+$0x0] =	vst v26;
	v19 =	vld.idx.msk [tilespmem:v29+s10+$0x0], $0xffff  }
0x7c: {  	[tilespmem:s3+$0x0] =	vst v18;
	v36 =	vld.idx.msk [tilespmem:v25+s10+$0x0], $0xffff;
	v18 =	vor.u32 v7, v9;
	v9 =	vmov v14;
	v14 =	vmov v27  }
0x7d: {  	s9 =	sadd.s32 $0x3, s9;
	v37 =	vor.u32 v5, v10;
	v33 =	vld.idx.msk [tilespmem:v33+s10+$0x0], $0xffff;
	[tilespmem:s28+$0x20] =	vst v30  }
0x7e: {  	v22 =	vor.u32 v7, v11;
	v11 =	vmov v15;
	v20 =	vmov s9;
	[tilespmem:s12+$0x10] =	vst v23;
	v27 =	vld.idx.msk [tilespmem:v21+s10+$0x0], $0xffff  }
.Ltmp0:
0x7f: {  	v29 =	vor.u32 v2, v12;
	v15 =	vand.u32 $0x1F, v20;
	[tilespmem:s1+$0x20] =	vst v31;
	v25 =	vld.idx.msk [tilespmem:v34+s10+$0x0], $0xffff;
	(pc) =	sbr.rel @p0 .LBB2_3-.Ltmp0, $4  }
0x80: {  	v20 =	vor.u32 v6, v8;
	v15 =	vbroadcast v15, $0x0;
	v26 =	vld.idx.msk [tilespmem:v24+s10+$0x0], $0xffff;
	[tilespmem:s31+$0x60] =	vst v35  }
0x81: {  	[tilespmem:s0+$0xFFFFFFD0] =	vst v28;
	v24 =	vld.idx.msk [tilespmem:v18+s10+$0x0], $0xffff  }
0x82: {  	v30 =	vor.u32 v0, v15;
	v18 =	vor.u32 v4, v15;
	[tilespmem:s24+$0x10] =	vst v36;
	v21 =	vld.idx.msk [tilespmem:v37+s10+$0x0], $0xffff  }
0x83: {  	v28 =	vor.u32 v4, v9;
	v23 =	vld.idx.msk [tilespmem:v32+s10+$0x0], $0xffff;
	[tilespmem:s3+$0x10] =	vst v33  }
0x84: {  	_ =	sdelay $0x3  }
0x85: {  	v30 =	vld.idx.msk [tilespmem:v30+s10+$0x0], $0xffff  }
0x86: {  	v31 =	vor.u32 v1, v15;
	_ =	sdelay $0x1  }
0x87: {  	[tilespmem:s28+$0x30] =	vst v27;
	s7 =	sand.u32 $0x380, s7  }
0x88: {  	[tilespmem:s30+$0x60] =	vst v25;
	s6 =	sor.u32 s7, s6  }
0x89: {  	[tilespmem:s6+$0x0] =	vst v30  }
0x8a: {  	[tilespmem:s1+$0x30] =	vst v26;
	v25 =	vld.idx.msk [tilespmem:v31+s10+$0x0], $0xffff  }
0x8b: {  	v26 =	vld.idx.msk [tilespmem:v29+s10+$0x0], $0xffff;
	[tilespmem:s31+$0x70] =	vst v24;
	v24 =	vor.u32 v2, v15  }
0x8c: {  	[tilespmem:s26+$0x30] =	vst v19;
	v19 =	vor.u32 v6, v10;
	v22 =	vld.idx.msk [tilespmem:v22+s10+$0x0], $0xffff  }
0x8d: {  	v17 =	vld.idx.msk [tilespmem:v17+s10+$0x0], $0xffff;
	[tilespmem:s12+$0x20] =	vst v23;
	v23 =	vor.u32 v3, v12  }
0x8e: {  	v27 =	vor.u32 v3, v13;
	v28 =	vld.idx.msk [tilespmem:v28+s10+$0x0], $0xffff;
	[tilespmem:s29+$0x50] =	vst v21  }
0x8f: {  	v16 =	vld.idx.msk [tilespmem:v16+s10+$0x0], $0xffff;
	v21 =	vor.u32 v3, v14;
	[tilespmem:s6+$0x10] =	vst v25  }
0x90: {  	[tilespmem:s0+$0xFFFFFFE0] =	vst v26;
	v24 =	vld.idx.msk [tilespmem:v24+s10+$0x0], $0xffff  }
0x91: {  	v19 =	vld.idx.msk [tilespmem:v19+s10+$0x0], $0xffff;
	[tilespmem:s30+$0x70] =	vst v22;
	v22 =	vor.u32 v3, v15  }
0x92: {  	v10 =	vor.u32 v7, v10;
	[tilespmem:s3+$0x20] =	vst v17;
	v23 =	vld.idx.msk [tilespmem:v23+s10+$0x0], $0xffff  }
0x93: {  	[tilespmem:s28+$0x40] =	vst v28;
	v25 =	vld.idx.msk [tilespmem:v27+s10+$0x0], $0xffff;
	v27 =	vor.u32 v5, v9  }
0x94: {  	v26 =	vor.u32 v4, v13;
	[tilespmem:s1+$0x40] =	vst v16;
	v16 =	vld.idx.msk [tilespmem:v21+s10+$0x0], $0xffff  }
0x95: {  	v17 =	vld.idx.msk [tilespmem:v20+s10+$0x0], $0xffff;
	v20 =	vor.u32 v4, v14;
	[tilespmem:s6+$0x20] =	vst v24  }
0x96: {  	v21 =	vor.u32 v4, v12;
	[tilespmem:s29+$0x60] =	vst v19;
	v22 =	vld.idx.msk [tilespmem:v22+s10+$0x0], $0xffff  }
0x97: {  	v10 =	vld.idx.msk [tilespmem:v10+s10+$0x0], $0xffff;
	[tilespmem:s0+$0xFFFFFFF0] =	vst v23  }
0x98: {  	v19 =	vor.u32 v5, v11;
	[tilespmem:s12+$0x30] =	vst v25;
	v23 =	vld.idx.msk [tilespmem:v27+s10+$0x0], $0xffff  }
0x99: {  	[tilespmem:s3+$0x30] =	vst v16;
	v25 =	vor.u32 v6, v9;
	v24 =	vld.idx.msk [tilespmem:v26+s10+$0x0], $0xffff  }
0x9a: {  	[tilespmem:s24+$0x20] =	vst v17;
	v16 =	vor.u32 v5, v13;
	v17 =	vld.idx.msk [tilespmem:v20+s10+$0x0], $0xffff  }
0x9b: {  	v20 =	vld.idx.msk [tilespmem:v21+s10+$0x0], $0xffff;
	v21 =	vor.u32 v5, v14;
	[tilespmem:s6+$0x30] =	vst v22  }
0x9c: {  	[tilespmem:s29+$0x70] =	vst v10;
	v22 =	vor.u32 v5, v12;
	v18 =	vld.idx.msk [tilespmem:v18+s10+$0x0], $0xffff  }
0x9d: {  	v19 =	vld.idx.msk [tilespmem:v19+s10+$0x0], $0xffff;
	[tilespmem:s28+$0x50] =	vst v23;
	v23 =	vor.u32 v5, v15  }
0x9e: {  	v10 =	vor.u32 v6, v11;
	[tilespmem:s12+$0x40] =	vst v24;
	v24 =	vld.idx.msk [tilespmem:v25+s10+$0x0], $0xffff  }
0x9f: {  	v9 =	vor.u32 v7, v9;
	[tilespmem:s3+$0x40] =	vst v17;
	v16 =	vld.idx.msk [tilespmem:v16+s10+$0x0], $0xffff  }
0xa0: {  	v17 =	vor.u32 v6, v13;
	[tilespmem:s0+$0x0] =	vst v20;
	v20 =	vld.idx.msk [tilespmem:v21+s10+$0x0], $0xffff  }
0xa1: {  	v21 =	vld.idx.msk [tilespmem:v22+s10+$0x0], $0xffff;
	[tilespmem:s6+$0x40] =	vst v18;
	v18 =	vor.u32 v6, v14  }
0xa2: {  	[tilespmem:s1+$0x50] =	vst v19;
	v19 =	vor.u32 v6, v12;
	v22 =	vld.idx.msk [tilespmem:v23+s10+$0x0], $0xffff  }
0xa3: {  	v10 =	vld.idx.msk [tilespmem:v10+s10+$0x0], $0xffff;
	[tilespmem:s28+$0x60] =	vst v24;
	v23 =	vor.u32 v6, v15  }
0xa4: {  	v8 =	vor.u32 v7, v8;
	v9 =	vld.idx.msk [tilespmem:v9+s10+$0x0], $0xffff;
	[tilespmem:s12+$0x50] =	vst v16  }
0xa5: {  	v11 =	vor.u32 v7, v11;
	[tilespmem:s3+$0x50] =	vst v20;
	v16 =	vld.idx.msk [tilespmem:v17+s10+$0x0], $0xffff  }
0xa6: {  	v13 =	vor.u32 v7, v13;
	[tilespmem:s0+$0x10] =	vst v21;
	v17 =	vld.idx.msk [tilespmem:v18+s10+$0x0], $0xffff  }
0xa7: {  	v14 =	vor.u32 v7, v14;
	v18 =	vld.idx.msk [tilespmem:v19+s10+$0x0], $0xffff;
	[tilespmem:s6+$0x50] =	vst v22  }
0xa8: {  	[tilespmem:s1+$0x60] =	vst v10;
	v10 =	vor.u32 v7, v12;
	v12 =	vld.idx.msk [tilespmem:v23+s10+$0x0], $0xffff  }
0xa9: {  	v8 =	vld.idx.msk [tilespmem:v8+s10+$0x0], $0xffff;
	[tilespmem:s28+$0x70] =	vst v9;
	v9 =	vor.u32 v7, v15  }
0xaa: {  	v11 =	vld.idx.msk [tilespmem:v11+s10+$0x0], $0xffff;
	[tilespmem:s12+$0x60] =	vst v16  }
0xab: {  	v13 =	vld.idx.msk [tilespmem:v13+s10+$0x0], $0xffff;
	[tilespmem:s3+$0x60] =	vst v17  }
0xac: {  	[tilespmem:s0+$0x20] =	vst v18;
	v14 =	vld.idx.msk [tilespmem:v14+s10+$0x0], $0xffff  }
0xad: {  	v10 =	vld.idx.msk [tilespmem:v10+s10+$0x0], $0xffff;
	[tilespmem:s6+$0x60] =	vst v12  }
0xae: {  	[tilespmem:s24+$0x30] =	vst v8;
	v8 =	vld.idx.msk [tilespmem:v9+s10+$0x0], $0xffff  }
0xaf: {  	s9 =	sadd.s32 s5, s25;
	[tilespmem:s1+$0x70] =	vst v11  }
0xb0: {  	s18 =	sshll.u32 s9, $0x7;
	[tilespmem:s12+$0x70] =	vst v13  }
0xb1: {  	s19 =	sand.u32 $0x3E00, s18;
	s1 =	sshll.u32 s9, $0x9;
	[tilespmem:s3+$0x70] =	vst v14  }
0xb2: {  	s26 =	sadd.s32 s2, s19;
	s24 =	sand.u32 $0xFFF0000, s1;
	[tilespmem:s0+$0x30] =	vst v10  }
0xb3: {  	p0 =	seq.s32 s22, $0xC7;
	s0 =	sadd.s32 s24, s26;
	[tilespmem:s6+$0x70] =	vst v8  }
0xb4: {  	[hbm4b:s0+s16] =	stream.strided.scatter [tilespmem:s21], [sflag:$0x2], $0x1000, s17, s16, $0x38;
	[tilespmem:$0x1F000] =	vst v63  }
0xb5: {  	s0 =	sshll.u32 @!p0 s22, $0x9;
	_ =	swait.ge [sflag:s14], $0x1000  }
0xb6: {  	s1 =	simm.s32 @!p0 $0x80;
	s24 =	sand.u32 @!p0 $0x3FFFFE00, s0;
	[sflag:s14] =	ssyncset.done $0x0  }
0xb7: {  	s3 =	simm.s32 @!p0 $0x19000;
	s0 =	sadd.s32 @!p0 $0x200, s24;
	[sflag:s14] =	ssyncadd.s32 $0xFFFFF000  }
0xb8: {  	[tilespmem:s3], [sflag:$0x1] =	stream.indirect.gather @!p0 [hbm4b:s4+s1], $0x20, s0, s1, $0xb8;
	[tilespmem:$0x1F000] =	vst v63  }
0xb9: {  	s3 =	simm.s32 $0x0  }
0xba: {  	s6 =	simm.s32 $0x1;
	v8 =	vmov s3  }
0xbb: {  	v9 =	vmov s6;
	v8 =	vand.u32 $0x1C, v8  }
0xbc: {  	v16 =	vbroadcast v8, $0x0;
	v8 =	vand.u32 $0x1D, v9  }
0xbd: {  	v17 =	vbroadcast v8, $0x0  }
0xbe: {  	p1 =	seq.s32 @!p0 s22, $0x0;
	v8 =	vor.u32 v0, v16  }
0xbf: {  	p1 =	por p0, !p1;
	v9 =	vor.u32 v0, v17  }
0xc0: {  	_ =	swait.ge @p1 [sflag:s20], $0x1000  }
0xc1: {  	[sflag:s20] =	ssyncset.done @p1 $0x0  }
0xc2: {  	[sflag:s20] =	ssyncadd.s32 @p1 $0xFFFFF000  }
0xc3: {  	v8 =	vld.idx.msk [tilespmem:v8+s11+$0x0], $0xffff  }
0xc4: {  	s7 =	simm.s32 $0x2;
	v10 =	vor.u32 v1, v16;
	v9 =	vld.idx.msk [tilespmem:v9+s11+$0x0], $0xffff  }
0xc5: {  	s8 =	simm.s32 $0x0;
	v11 =	vmov s7;
	v12 =	vor.u32 v1, v17  }
0xc6: {  	s9 =	simm.s32 $0x80;
	v11 =	vand.u32 $0x1E, v11;
	s0 =	sand.u32 $0xC00, s8  }
0xc7: {  	s28 =	simm.s32 $0x1E040;
	v15 =	vbroadcast v11, $0x0;
	s1 =	sand.u32 $0x280, s9;
	s0 =	sor.u32 $0x1E000, s0  }
0xc8: {  	s12 =	simm.s32 $0x3;
	s6 =	sor.u32 s1, s0;
	[tilespmem:s28+$0xFFFFFFC0] =	vst v8  }
0xc9: {  	v8 =	vor.u32 v0, v15;
	[tilespmem:s6+$0x0] =	vst v9;
	v9 =	vld.idx.msk [tilespmem:v10+s11+$0x0], $0xffff;
	v10 =	vmov s12  }
0xca: {  	v11 =	vld.idx.msk [tilespmem:v12+s11+$0x0], $0xffff;
	v12 =	vor.u32 v2, v16;
	v10 =	vand.u32 $0x1F, v10  }
0xcb: {  	v13 =	vor.u32 v2, v17;
	v18 =	vbroadcast v10, $0x0;
	_ =	sdelay $0x1  }
0xcc: {  	s18 =	simm.s32 $0x4;
	v14 =	vor.u32 v0, v18  }
0xcd: {  	v19 =	vld.idx.msk [tilespmem:v8+s11+$0x0], $0xffff;
	v8 =	vmov s18;
	[tilespmem:s28+$0xFFFFFFD0] =	vst v9  }
0xce: {  	s19 =	simm.s32 $0x5;
	v20 =	vor.u32 v1, v15;
	v8 =	vand.u32 $0x1C, v8;
	[tilespmem:s6+$0x10] =	vst v11;
	v11 =	vld.idx.msk [tilespmem:v12+s11+$0x0], $0xffff  }
0xcf: {  	s26 =	simm.s32 $0x6;
	s21 =	simm.s32 $0x100;
	v9 =	vmov s19;
	v8 =	vbroadcast v8, $0x0;
	v12 =	vld.idx.msk [tilespmem:v13+s11+$0x0], $0xffff;
	v13 =	vor.u32 v3, v16  }
0xd0: {  	v22 =	vmov s26;
	s3 =	sand.u32 $0x300, s21;
	v21 =	vor.u32 v3, v17;
	v9 =	vand.u32 $0x1D, v9  }
0xd1: {  	s1 =	sor.u32 s3, s0;
	v10 =	vbroadcast v9, $0x0;
	v9 =	vand.u32 $0x1E, v22;
	v22 =	vor.u32 v0, v8;
	v14 =	vld.idx.msk [tilespmem:v14+s11+$0x0], $0xffff  }
0xd2: {  	v9 =	vbroadcast v9, $0x0;
	[tilespmem:s1+$0x0] =	vst v19;
	v19 =	vor.u32 v1, v18  }
0xd3: {  	s7 =	simm.s32 $0x180;
	v23 =	vor.u32 v0, v10;
	v20 =	vld.idx.msk [tilespmem:v20+s11+$0x0], $0xffff;
	[tilespmem:s28+$0xFFFFFFE0] =	vst v11  }
0xd4: {  	s3 =	sand.u32 $0x380, s7;
	v11 =	vor.u32 v0, v9;
	[tilespmem:s6+$0x20] =	vst v12;
	v12 =	vld.idx.msk [tilespmem:v13+s11+$0x0], $0xffff  }
0xd5: {  	s31 =	sor.u32 s3, s0;
	v13 =	vld.idx.msk [tilespmem:v21+s11+$0x0], $0xffff;
	v21 =	vor.u32 v4, v16  }
0xd6: {  	v24 =	vor.u32 v4, v17;
	v22 =	vld.idx.msk [tilespmem:v22+s11+$0x0], $0xffff;
	[tilespmem:s31+$0x0] =	vst v14  }
0xd7: {  	v14 =	vor.u32 v2, v15;
	v19 =	vld.idx.msk [tilespmem:v19+s11+$0x0], $0xffff  }
0xd8: {  	v25 =	vor.u32 v2, v18;
	v23 =	vld.idx.msk [tilespmem:v23+s11+$0x0], $0xffff  }
0xd9: {  	v26 =	vor.u32 v1, v8;
	v11 =	vld.idx.msk [tilespmem:v11+s11+$0x0], $0xffff;
	[tilespmem:s28+$0xFFFFFFF0] =	vst v12  }
0xda: {  	s8 =	simm.s32 $0x200;
	v12 =	vor.u32 v1, v10;
	[tilespmem:s6+$0x30] =	vst v13;
	v13 =	vld.idx.msk [tilespmem:v21+s11+$0x0], $0xffff  }
0xdb: {  	s9 =	simm.s32 $0x280;
	s0 =	sand.u32 $0xC00, s8;
	[tilespmem:s1+$0x10] =	vst v20;
	v21 =	vor.u32 v5, v16;
	v20 =	vld.idx.msk [tilespmem:v24+s11+$0x0], $0xffff  }
0xdc: {  	s26 =	simm.s32 $0x1E240;
	s3 =	sand.u32 $0x280, s9;
	s0 =	sor.u32 $0x1E000, s0;
	v24 =	vor.u32 v1, v9;
	v14 =	vld.idx.msk [tilespmem:v14+s11+$0x0], $0xffff;
	[tilespmem:s31+$0x10] =	vst v19  }
0xdd: {  	s30 =	sor.u32 s3, s0;
	s12 =	simm.s32 $0x300;
	[tilespmem:s26+$0xFFFFFFC0] =	vst v22;
	v19 =	vor.u32 v3, v15;
	v22 =	vld.idx.msk [tilespmem:v25+s11+$0x0], $0xffff  }
0xde: {  	s18 =	sand.u32 $0x300, s12;
	[tilespmem:s30+$0x0] =	vst v23;
	v23 =	vld.idx.msk [tilespmem:v26+s11+$0x0], $0xffff;
	v25 =	vor.u32 v3, v18  }
0xdf: {  	s19 =	simm.s32 $0x7;
	s29 =	sor.u32 s18, s0;
	v12 =	vld.idx.msk [tilespmem:v12+s11+$0x0], $0xffff;
	[tilespmem:s28+$0x0] =	vst v13;
	v13 =	vor.u32 v5, v17  }
0xe0: {  	v27 =	vor.u32 v2, v10;
	v26 =	vmov s19;
	[tilespmem:s29+$0x0] =	vst v11;
	v21 =	vld.idx.msk [tilespmem:v21+s11+$0x0], $0xffff  }
0xe1: {  	v11 =	vand.u32 $0x1F, v26;
	v24 =	vld.idx.msk [tilespmem:v24+s11+$0x0], $0xffff;
	[tilespmem:s1+$0x20] =	vst v14;
	v14 =	vor.u32 v2, v8  }
0xe2: {  	v11 =	vbroadcast v11, $0x0;
	v19 =	vld.idx.msk [tilespmem:v19+s11+$0x0], $0xffff;
	[tilespmem:s31+$0x20] =	vst v22;
	v22 =	vor.u32 v6, v16  }
0xe3: {  	v28 =	vor.u32 v4, v15;
	[tilespmem:s6+$0x40] =	vst v20;
	v20 =	vld.idx.msk [tilespmem:v25+s11+$0x0], $0xffff  }
0xe4: {  	s21 =	simm.s32 $0x8;
	v25 =	vor.u32 v0, v11;
	[tilespmem:s30+$0x10] =	vst v12;
	v26 =	vld.idx.msk [tilespmem:v13+s11+$0x0], $0xffff  }
0xe5: {  	s7 =	simm.s32 $0x9;
	v29 =	vor.u32 v4, v18;
	[tilespmem:s26+$0xFFFFFFD0] =	vst v23;
	v12 =	vmov s21;
	v23 =	vld.idx.msk [tilespmem:v27+s11+$0x0], $0xffff  }
0xe6: {  	v12 =	vand.u32 $0x1C, v12;
	v13 =	vmov s7;
	v27 =	vor.u32 v3, v10;
	[tilespmem:s28+$0x10] =	vst v21;
	v21 =	vld.idx.msk [tilespmem:v14+s11+$0x0], $0xffff  }
0xe7: {  	s8 =	simm.s32 $0xA;
	v30 =	vor.u32 v6, v17;
	v12 =	vbroadcast v12, $0x0;
	v13 =	vand.u32 $0x1D, v13;
	[tilespmem:s1+$0x30] =	vst v19;
	v22 =	vld.idx.msk [tilespmem:v22+s11+$0x0], $0xffff  }
0xe8: {  	v14 =	vmov s8;
	v13 =	vbroadcast v13, $0x0;
	v19 =	vor.u32 v3, v8;
	v28 =	vld.idx.msk [tilespmem:v28+s11+$0x0], $0xffff  }
0xe9: {  	v14 =	vand.u32 $0x1E, v14;
	v25 =	vld.idx.msk [tilespmem:v25+s11+$0x0], $0xffff;
	[tilespmem:s31+$0x30] =	vst v20;
	v20 =	vor.u32 v0, v12  }
0xea: {  	v14 =	vbroadcast v14, $0x0;
	v31 =	vor.u32 v0, v13;
	[tilespmem:s30+$0x20] =	vst v23;
	v23 =	vld.idx.msk [tilespmem:v29+s11+$0x0], $0xffff  }
0xeb: {  	v29 =	vor.u32 v1, v11;
	[tilespmem:s6+$0x50] =	vst v26;
	v27 =	vld.idx.msk [tilespmem:v27+s11+$0x0], $0xffff  }
0xec: {  	s9 =	simm.s32 $0x380;
	v26 =	vor.u32 v0, v14;
	[tilespmem:s26+$0xFFFFFFE0] =	vst v21;
	v21 =	vld.idx.msk [tilespmem:v30+s11+$0x0], $0xffff  }
0xed: {  	s3 =	sand.u32 $0x380, s9;
	[tilespmem:s29+$0x10] =	vst v24;
	v24 =	vor.u32 v4, v10;
	v19 =	vld.idx.msk [tilespmem:v19+s11+$0x0], $0xffff  }
0xee: {  	s0 =	sor.u32 s3, s0;
	v17 =	vor.u32 v7, v17;
	[tilespmem:s1+$0x40] =	vst v28;
	v20 =	vld.idx.msk [tilespmem:v20+s11+$0x0], $0xffff  }
0xef: {  	v28 =	vor.u32 v5, v15;
	[tilespmem:s0+$0x0] =	vst v25;
	v25 =	vld.idx.msk [tilespmem:v31+s11+$0x0], $0xffff  }
0xf0: {  	v30 =	vor.u32 v5, v18;
	v29 =	vld.idx.msk [tilespmem:v29+s11+$0x0], $0xffff;
	[tilespmem:s31+$0x40] =	vst v23  }
0xf1: {  	v23 =	vld.idx.msk [tilespmem:v26+s11+$0x0], $0xffff;
	v26 =	vor.u32 v4, v8;
	[tilespmem:s30+$0x30] =	vst v27  }
0xf2: {  	s12 =	simm.s32 $0x400;
	v27 =	vor.u32 v1, v12;
	[tilespmem:s6+$0x60] =	vst v21;
	v24 =	vld.idx.msk [tilespmem:v24+s11+$0x0], $0xffff  }
0xf3: {  	s3 =	sand.u32 $0xC00, s12;
	s18 =	simm.s32 $0x480;
	s12 =	simm.s32 $0x1E440;
	v21 =	vor.u32 v2, v9;
	[tilespmem:s26+$0xFFFFFFF0] =	vst v19;
	v17 =	vld.idx.msk [tilespmem:v17+s11+$0x0], $0xffff  }
0xf4: {  	s7 =	sand.u32 $0x280, s18;
	s8 =	sor.u32 $0x1E000, s3;
	v19 =	vor.u32 v1, v13;
	[tilespmem:s12+$0xFFFFFFC0] =	vst v20;
	v20 =	vld.idx.msk [tilespmem:v28+s11+$0x0], $0xffff  }
0xf5: {  	v16 =	vor.u32 v7, v16;
	s3 =	sor.u32 s7, s8;
	[tilespmem:s28+$0x20] =	vst v22;
	v28 =	vld.idx.msk [tilespmem:v30+s11+$0x0], $0xffff  }
0xf6: {  	[tilespmem:s3+$0x0] =	vst v25;
	v25 =	vor.u32 v2, v11;
	v26 =	vld.idx.msk [tilespmem:v26+s11+$0x0], $0xffff  }
0xf7: {  	v22 =	vor.u32 v6, v15;
	[tilespmem:s0+$0x10] =	vst v29;
	v30 =	vld.idx.msk [tilespmem:v27+s11+$0x0], $0xffff  }
0xf8: {  	v27 =	vor.u32 v5, v8;
	v21 =	vld.idx.msk [tilespmem:v21+s11+$0x0], $0xffff;
	[tilespmem:s30+$0x40] =	vst v24  }
0xf9: {  	v32 =	vor.u32 v5, v10;
	v29 =	vld.idx.msk [tilespmem:v19+s11+$0x0], $0xffff;
	[tilespmem:s6+$0x70] =	vst v17  }
0xfa: {  	s19 =	simm.s32 $0x500;
	v24 =	vor.u32 v1, v14;
	v19 =	vld.idx.msk [tilespmem:v16+s11+$0x0], $0xffff;
	[tilespmem:s1+$0x50] =	vst v20  }
0xfb: {  	v17 =	vor.u32 v3, v9;
	s6 =	sand.u32 $0x300, s19;
	v25 =	vld.idx.msk [tilespmem:v25+s11+$0x0], $0xffff;
	[tilespmem:s31+$0x50] =	vst v28  }
0xfc: {  	s7 =	sor.u32 s6, s8;
	v20 =	vor.u32 v6, v18;
	v22 =	vld.idx.msk [tilespmem:v22+s11+$0x0], $0xffff;
	[tilespmem:s26+$0x0] =	vst v26  }
0xfd: {  	[tilespmem:s7+$0x0] =	vst v23;
	v26 =	vor.u32 v3, v11;
	v23 =	vld.idx.msk [tilespmem:v27+s11+$0x0], $0xffff  }
0xfe: {  	s21 =	simm.s32 $0xB;
	v28 =	vor.u32 v7, v15;
	[tilespmem:s29+$0x20] =	vst v21;
	v21 =	vld.idx.msk [tilespmem:v32+s11+$0x0], $0xffff  }
0xff: {  	v33 =	vor.u32 v2, v13;
	v15 =	vmov s21;
	[tilespmem:s12+$0xFFFFFFD0] =	vst v30;
	v31 =	vld.idx.msk [tilespmem:v24+s11+$0x0], $0xffff  }
0x100: {  	v15 =	vand.u32 $0x1F, v15;
	[tilespmem:s3+$0x10] =	vst v29;
	v27 =	vld.idx.msk [tilespmem:v17+s11+$0x0], $0xffff  }
0x101: {  	v16 =	vor.u32 v4, v11;
	v15 =	vbroadcast v15, $0x0;
	v29 =	vor.u32 v2, v12;
	[tilespmem:s0+$0x20] =	vst v25;
	v25 =	vld.idx.msk [tilespmem:v20+s11+$0x0], $0xffff  }
0x102: {  	v17 =	vor.u32 v2, v14;
	v20 =	vor.u32 v6, v8;
	v26 =	vld.idx.msk [tilespmem:v26+s11+$0x0], $0xffff;
	[tilespmem:s1+$0x60] =	vst v22  }
0x103: {  	v30 =	vor.u32 v0, v15;
	v22 =	vor.u32 v7, v18;
	v24 =	vld.idx.msk [tilespmem:v28+s11+$0x0], $0xffff;
	[tilespmem:s26+$0x10] =	vst v23  }
0x104: {  	s9 =	simm.s32 $0xC;
	s6 =	sor.u32 $0x1, s25;
	s21 =	simm.s32 $0x580;
	v18 =	vor.u32 v4, v15;
	v23 =	vld.idx.msk [tilespmem:v33+s11+$0x0], $0xffff;
	v28 =	vor.u32 v4, v9;
	[tilespmem:s7+$0x10] =	vst v31  }
.LBB2_5:
0x105: {  	s19 =	sadd.s32 $0x1, s9  }
0x106: {  	v31 =	vmov s9;
	p1 =	slt.u32 s9, $0x1C;
	v29 =	vld.idx.msk [tilespmem:v29+s11+$0x0], $0xffff;
	v32 =	vor.u32 v6, v10;
	[tilespmem:s29+$0x30] =	vst v27;
	s18 =	smov.u32 s9;
	s9 =	sadd.s32 $0x4, s9  }
0x107: {  	v33 =	vor.u32 v3, v13;
	v27 =	vand.u32 $0x1C, v31;
	v31 =	vmov s19;
	s19 =	sadd.s32 $0x2, s18;
	v20 =	vld.idx.msk [tilespmem:v20+s11+$0x0], $0xffff;
	[tilespmem:s31+$0x60] =	vst v25  }
0x108: {  	v25 =	vbroadcast v27, $0x0;
	v27 =	vand.u32 $0x1D, v31;
	v31 =	vmov s19;
	[tilespmem:s0+$0x30] =	vst v26;
	v22 =	vld.idx.msk [tilespmem:v22+s11+$0x0], $0xffff  }
0x109: {  	v26 =	vbroadcast v27, $0x0;
	v27 =	vand.u32 $0x1E, v31;
	v31 =	vor.u32 v3, v12;
	v30 =	vld.idx.msk [tilespmem:v30+s11+$0x0], $0xffff;
	[tilespmem:s1+$0x70] =	vst v24;
	s1 =	smov.u32 s29;
	s29 =	smov.u32 s7  }
0x10a: {  	v24 =	vor.u32 v0, v25;
	v27 =	vbroadcast v27, $0x0;
	v28 =	vld.idx.msk [tilespmem:v28+s11+$0x0], $0xffff;
	[tilespmem:s28+$0x30] =	vst v19;
	s28 =	smov.u32 s26;
	s26 =	smov.u32 s12  }
0x10b: {  	v19 =	vor.u32 v0, v26;
	[tilespmem:s3+$0x20] =	vst v23;
	v23 =	vld.idx.msk [tilespmem:v16+s11+$0x0], $0xffff;
	v16 =	vmov v18  }
0x10c: {  	v34 =	vor.u32 v1, v15;
	v18 =	vor.u32 v0, v27;
	v33 =	vld.idx.msk [tilespmem:v33+s11+$0x0], $0xffff;
	[tilespmem:s30+$0x50] =	vst v21  }
0x10d: {  	s7 =	sand.u32 $0x380, s21;
	[tilespmem:s12+$0xFFFFFFE0] =	vst v29;
	v21 =	vld.idx.msk [tilespmem:v32+s11+$0x0], $0xffff  }
0x10e: {  	v29 =	vld.idx.msk [tilespmem:v31+s11+$0x0], $0xffff;
	v31 =	vor.u32 v4, v13;
	[tilespmem:s31+$0x70] =	vst v22;
	s31 =	smov.u32 s0;
	s0 =	sor.u32 s7, s8  }
0x10f: {  	v22 =	vld.idx.msk [tilespmem:v24+s11+$0x0], $0xffff;
	[tilespmem:s0+$0x0] =	vst v30;
	v24 =	vor.u32 v7, v10;
	v10 =	vmov v13;
	v13 =	vmov v26  }
0x110: {  	v26 =	vor.u32 v5, v9;
	v19 =	vld.idx.msk [tilespmem:v19+s11+$0x0], $0xffff;
	[tilespmem:s1+$0x40] =	vst v28;
	v28 =	vor.u32 v5, v11  }
0x111: {  	s21 =	sadd.s32 $0x200, s21;
	v30 =	vor.u32 v1, v25;
	v32 =	vld.idx.msk [tilespmem:v34+s11+$0x0], $0xffff;
	[tilespmem:s31+$0x40] =	vst v23  }
0x112: {  	s7 =	sadd.s32 $0xFFFFFE80, s21;
	v23 =	vor.u32 v1, v13;
	v34 =	vor.u32 v4, v12;
	v18 =	vld.idx.msk [tilespmem:v18+s11+$0x0], $0xffff;
	[tilespmem:s3+$0x30] =	vst v33  }
0x113: {  	s12 =	sadd.s32 $0x200, s12;
	s8 =	sadd.s32 $0xFFFFFF00, s21;
	s7 =	sand.u32 $0xC00, s7;
	v33 =	vor.u32 v1, v27;
	v31 =	vld.idx.msk [tilespmem:v31+s11+$0x0], $0xffff;
	[tilespmem:s30+$0x60] =	vst v21  }
0x114: {  	s19 =	sand.u32 $0x280, s8;
	s8 =	sor.u32 $0x1E000, s7;
	s7 =	sadd.s32 $0xFFFFFF80, s21;
	[tilespmem:s26+$0xFFFFFFF0] =	vst v29;
	v21 =	vld.idx.msk [tilespmem:v24+s11+$0x0], $0xffff  }
0x115: {  	s19 =	sor.u32 s19, s8;
	s7 =	sand.u32 $0x300, s7;
	[tilespmem:s12+$0xFFFFFFC0] =	vst v22;
	v22 =	vld.idx.msk [tilespmem:v26+s11+$0x0], $0xffff  }
0x116: {  	s7 =	sor.u32 s7, s8;
	[tilespmem:s19+$0x0] =	vst v19;
	v19 =	vor.u32 v2, v15;
	v24 =	vld.idx.msk [tilespmem:v28+s11+$0x0], $0xffff  }
0x117: {  	v26 =	vld.idx.msk [tilespmem:v34+s11+$0x0], $0xffff;
	[tilespmem:s28+$0x20] =	vst v20;
	v20 =	vor.u32 v6, v9  }
0x118: {  	v29 =	vor.u32 v7, v8;
	v8 =	vmov v12;
	v12 =	vmov v25;
	v28 =	vld.idx.msk [tilespmem:v30+s11+$0x0], $0xffff;
	[tilespmem:s0+$0x10] =	vst v32  }
0x119: {  	v25 =	vor.u32 v5, v8;
	v32 =	vor.u32 v2, v13;
	[tilespmem:s3+$0x40] =	vst v31;
	v30 =	vld.idx.msk [tilespmem:v17+s11+$0x0], $0xffff  }
0x11a: {  	v17 =	vor.u32 v2, v27;
	v23 =	vld.idx.msk [tilespmem:v23+s11+$0x0], $0xffff;
	[tilespmem:s30+$0x70] =	vst v21;
	s30 =	smov.u32 s3;
	s3 =	smov.u32 s19  }
0x11b: {  	v34 =	vor.u32 v6, v11;
	v21 =	vor.u32 v3, v14;
	v31 =	vld.idx.msk [tilespmem:v19+s11+$0x0], $0xffff;
	[tilespmem:s1+$0x50] =	vst v22  }
0x11c: {  	v35 =	vld.idx.msk [tilespmem:v20+s11+$0x0], $0xffff;
	[tilespmem:s31+$0x50] =	vst v24  }
0x11d: {  	v24 =	vor.u32 v3, v15;
	[tilespmem:s26+$0x0] =	vst v26;
	v19 =	vld.idx.msk [tilespmem:v29+s11+$0x0], $0xffff  }
0x11e: {  	[tilespmem:s7+$0x0] =	vst v18;
	v36 =	vld.idx.msk [tilespmem:v25+s11+$0x0], $0xffff;
	v18 =	vor.u32 v7, v9;
	v9 =	vmov v14;
	v14 =	vmov v27  }
0x11f: {  	s18 =	sadd.s32 $0x3, s18;
	v37 =	vor.u32 v5, v10;
	v33 =	vld.idx.msk [tilespmem:v33+s11+$0x0], $0xffff;
	[tilespmem:s29+$0x20] =	vst v30  }
0x120: {  	v22 =	vor.u32 v7, v11;
	v11 =	vmov v15;
	v20 =	vmov s18;
	[tilespmem:s3+$0x10] =	vst v23;
	v27 =	vld.idx.msk [tilespmem:v21+s11+$0x0], $0xffff  }
.Ltmp1:
0x121: {  	v29 =	vor.u32 v2, v12;
	v15 =	vand.u32 $0x1F, v20;
	[tilespmem:s0+$0x20] =	vst v31;
	v25 =	vld.idx.msk [tilespmem:v34+s11+$0x0], $0xffff;
	(pc) =	sbr.rel @p1 .LBB2_5-.Ltmp1, $4  }
0x122: {  	v20 =	vor.u32 v6, v8;
	v15 =	vbroadcast v15, $0x0;
	v26 =	vld.idx.msk [tilespmem:v24+s11+$0x0], $0xffff;
	[tilespmem:s1+$0x60] =	vst v35  }
0x123: {  	[tilespmem:s12+$0xFFFFFFD0] =	vst v28;
	v24 =	vld.idx.msk [tilespmem:v18+s11+$0x0], $0xffff  }
0x124: {  	v30 =	vor.u32 v0, v15;
	v18 =	vor.u32 v4, v15;
	[tilespmem:s26+$0x10] =	vst v36;
	v21 =	vld.idx.msk [tilespmem:v37+s11+$0x0], $0xffff  }
0x125: {  	v28 =	vor.u32 v4, v9;
	v23 =	vld.idx.msk [tilespmem:v32+s11+$0x0], $0xffff;
	[tilespmem:s7+$0x10] =	vst v33  }
0x126: {  	_ =	sdelay $0x3  }
0x127: {  	v30 =	vld.idx.msk [tilespmem:v30+s11+$0x0], $0xffff  }
0x128: {  	v31 =	vor.u32 v1, v15;
	_ =	sdelay $0x1  }
0x129: {  	[tilespmem:s29+$0x30] =	vst v27;
	s9 =	sand.u32 $0x380, s21  }
0x12a: {  	[tilespmem:s31+$0x60] =	vst v25;
	s8 =	sor.u32 s9, s8  }
0x12b: {  	[tilespmem:s8+$0x0] =	vst v30  }
0x12c: {  	[tilespmem:s0+$0x30] =	vst v26;
	v25 =	vld.idx.msk [tilespmem:v31+s11+$0x0], $0xffff  }
0x12d: {  	v26 =	vld.idx.msk [tilespmem:v29+s11+$0x0], $0xffff;
	[tilespmem:s1+$0x70] =	vst v24;
	v24 =	vor.u32 v2, v15  }
0x12e: {  	[tilespmem:s28+$0x30] =	vst v19;
	v19 =	vor.u32 v6, v10;
	v22 =	vld.idx.msk [tilespmem:v22+s11+$0x0], $0xffff  }
0x12f: {  	v17 =	vld.idx.msk [tilespmem:v17+s11+$0x0], $0xffff;
	[tilespmem:s3+$0x20] =	vst v23;
	v23 =	vor.u32 v3, v12  }
0x130: {  	v27 =	vor.u32 v3, v13;
	v28 =	vld.idx.msk [tilespmem:v28+s11+$0x0], $0xffff;
	[tilespmem:s30+$0x50] =	vst v21  }
0x131: {  	v16 =	vld.idx.msk [tilespmem:v16+s11+$0x0], $0xffff;
	v21 =	vor.u32 v3, v14;
	[tilespmem:s8+$0x10] =	vst v25  }
0x132: {  	[tilespmem:s12+$0xFFFFFFE0] =	vst v26;
	v24 =	vld.idx.msk [tilespmem:v24+s11+$0x0], $0xffff  }
0x133: {  	v19 =	vld.idx.msk [tilespmem:v19+s11+$0x0], $0xffff;
	[tilespmem:s31+$0x70] =	vst v22;
	v22 =	vor.u32 v3, v15  }
0x134: {  	v10 =	vor.u32 v7, v10;
	[tilespmem:s7+$0x20] =	vst v17;
	v23 =	vld.idx.msk [tilespmem:v23+s11+$0x0], $0xffff  }
0x135: {  	[tilespmem:s29+$0x40] =	vst v28;
	v25 =	vld.idx.msk [tilespmem:v27+s11+$0x0], $0xffff;
	v27 =	vor.u32 v5, v9  }
0x136: {  	v26 =	vor.u32 v4, v13;
	[tilespmem:s0+$0x40] =	vst v16;
	v16 =	vld.idx.msk [tilespmem:v21+s11+$0x0], $0xffff  }
0x137: {  	v17 =	vld.idx.msk [tilespmem:v20+s11+$0x0], $0xffff;
	v20 =	vor.u32 v4, v14;
	[tilespmem:s8+$0x20] =	vst v24  }
0x138: {  	v21 =	vor.u32 v4, v12;
	[tilespmem:s30+$0x60] =	vst v19;
	v22 =	vld.idx.msk [tilespmem:v22+s11+$0x0], $0xffff  }
0x139: {  	v10 =	vld.idx.msk [tilespmem:v10+s11+$0x0], $0xffff;
	[tilespmem:s12+$0xFFFFFFF0] =	vst v23  }
0x13a: {  	v19 =	vor.u32 v5, v11;
	[tilespmem:s3+$0x30] =	vst v25;
	v23 =	vld.idx.msk [tilespmem:v27+s11+$0x0], $0xffff  }
0x13b: {  	[tilespmem:s7+$0x30] =	vst v16;
	v25 =	vor.u32 v6, v9;
	v24 =	vld.idx.msk [tilespmem:v26+s11+$0x0], $0xffff  }
0x13c: {  	[tilespmem:s26+$0x20] =	vst v17;
	v16 =	vor.u32 v5, v13;
	v17 =	vld.idx.msk [tilespmem:v20+s11+$0x0], $0xffff  }
0x13d: {  	v20 =	vld.idx.msk [tilespmem:v21+s11+$0x0], $0xffff;
	v21 =	vor.u32 v5, v14;
	[tilespmem:s8+$0x30] =	vst v22  }
0x13e: {  	[tilespmem:s30+$0x70] =	vst v10;
	v22 =	vor.u32 v5, v12;
	v18 =	vld.idx.msk [tilespmem:v18+s11+$0x0], $0xffff  }
0x13f: {  	v19 =	vld.idx.msk [tilespmem:v19+s11+$0x0], $0xffff;
	[tilespmem:s29+$0x50] =	vst v23;
	v23 =	vor.u32 v5, v15  }
0x140: {  	v10 =	vor.u32 v6, v11;
	[tilespmem:s3+$0x40] =	vst v24;
	v24 =	vld.idx.msk [tilespmem:v25+s11+$0x0], $0xffff  }
0x141: {  	v9 =	vor.u32 v7, v9;
	[tilespmem:s7+$0x40] =	vst v17;
	v16 =	vld.idx.msk [tilespmem:v16+s11+$0x0], $0xffff  }
0x142: {  	v17 =	vor.u32 v6, v13;
	[tilespmem:s12+$0x0] =	vst v20;
	v20 =	vld.idx.msk [tilespmem:v21+s11+$0x0], $0xffff  }
0x143: {  	v21 =	vld.idx.msk [tilespmem:v22+s11+$0x0], $0xffff;
	[tilespmem:s8+$0x40] =	vst v18;
	v18 =	vor.u32 v6, v14  }
0x144: {  	[tilespmem:s0+$0x50] =	vst v19;
	v19 =	vor.u32 v6, v12;
	v22 =	vld.idx.msk [tilespmem:v23+s11+$0x0], $0xffff  }
0x145: {  	v10 =	vld.idx.msk [tilespmem:v10+s11+$0x0], $0xffff;
	[tilespmem:s29+$0x60] =	vst v24;
	v23 =	vor.u32 v6, v15  }
0x146: {  	v8 =	vor.u32 v7, v8;
	v9 =	vld.idx.msk [tilespmem:v9+s11+$0x0], $0xffff;
	[tilespmem:s3+$0x50] =	vst v16  }
0x147: {  	v11 =	vor.u32 v7, v11;
	[tilespmem:s7+$0x50] =	vst v20;
	v16 =	vld.idx.msk [tilespmem:v17+s11+$0x0], $0xffff  }
0x148: {  	v13 =	vor.u32 v7, v13;
	[tilespmem:s12+$0x10] =	vst v21;
	v17 =	vld.idx.msk [tilespmem:v18+s11+$0x0], $0xffff  }
0x149: {  	v14 =	vor.u32 v7, v14;
	v18 =	vld.idx.msk [tilespmem:v19+s11+$0x0], $0xffff;
	[tilespmem:s8+$0x50] =	vst v22  }
0x14a: {  	[tilespmem:s0+$0x60] =	vst v10;
	v10 =	vor.u32 v7, v12;
	v12 =	vld.idx.msk [tilespmem:v23+s11+$0x0], $0xffff  }
0x14b: {  	v8 =	vld.idx.msk [tilespmem:v8+s11+$0x0], $0xffff;
	[tilespmem:s29+$0x70] =	vst v9;
	v9 =	vor.u32 v7, v15  }
0x14c: {  	v11 =	vld.idx.msk [tilespmem:v11+s11+$0x0], $0xffff;
	[tilespmem:s3+$0x60] =	vst v16  }
0x14d: {  	v13 =	vld.idx.msk [tilespmem:v13+s11+$0x0], $0xffff;
	[tilespmem:s7+$0x60] =	vst v17  }
0x14e: {  	[tilespmem:s12+$0x20] =	vst v18;
	v14 =	vld.idx.msk [tilespmem:v14+s11+$0x0], $0xffff  }
0x14f: {  	v10 =	vld.idx.msk [tilespmem:v10+s11+$0x0], $0xffff;
	[tilespmem:s8+$0x60] =	vst v12  }
0x150: {  	[tilespmem:s26+$0x30] =	vst v8;
	v8 =	vld.idx.msk [tilespmem:v9+s11+$0x0], $0xffff  }
0x151: {  	s19 =	sadd.s32 s5, s6;
	[tilespmem:s0+$0x70] =	vst v11  }
0x152: {  	s21 =	sshll.u32 s19, $0x7;
	[tilespmem:s3+$0x70] =	vst v13  }
0x153: {  	s1 =	sand.u32 $0x3E80, s21;
	s0 =	sshll.u32 s19, $0x9;
	[tilespmem:s7+$0x70] =	vst v14  }
0x154: {  	s1 =	sadd.s32 s2, s1;
	s0 =	sand.u32 $0xFFF0000, s0;
	s3 =	simm.s32 $0x0;
	[tilespmem:s12+$0x30] =	vst v10  }
0x155: {  	s6 =	simm.s32 $0x1;
	s26 =	simm.s32 $0x1E000;
	s0 =	sadd.s32 s0, s1;
	[tilespmem:s8+$0x70] =	vst v8;
	v8 =	vmov s3  }
0x156: {  	v9 =	vmov s6;
	[hbm4b:s0+s16] =	stream.strided.scatter [tilespmem:s26], [sflag:$0x2], $0x1000, s17, s16, $0x38;
	v8 =	vand.u32 $0x1C, v8;
	[tilespmem:$0x1F000] =	vst v63  }
0x157: {  	_ =	swait.ge [sflag:s14], $0x1000;
	v15 =	vbroadcast v8, $0x0;
	v8 =	vand.u32 $0x1D, v9  }
0x158: {  	s1 =	simm.s32 @!p0 $0x80;
	[sflag:s14] =	ssyncset.done $0x0;
	v17 =	vbroadcast v8, $0x0  }
0x159: {  	s3 =	simm.s32 @!p0 $0x1A000;
	s0 =	sadd.s32 @!p0 $0x280, s24;
	[sflag:s14] =	ssyncadd.s32 $0xFFFFF000;
	v8 =	vor.u32 v0, v15  }
0x15a: {  	[tilespmem:s3], [sflag:$0x1] =	stream.indirect.gather @!p0 [hbm4b:s4+s1], $0x20, s0, s1, $0xb8;
	v9 =	vor.u32 v0, v17;
	[tilespmem:$0x1F000] =	vst v63  }
0x15b: {  	_ =	swait.ge [sflag:s20], $0x1000  }
0x15c: {  	[sflag:s20] =	ssyncset.done $0x0  }
0x15d: {  	[sflag:s20] =	ssyncadd.s32 $0xFFFFF000  }
0x15e: {  	v8 =	vld.idx.msk [tilespmem:v8+s13+$0x0], $0xffff  }
0x15f: {  	s7 =	simm.s32 $0x2;
	v10 =	vor.u32 v1, v15;
	v9 =	vld.idx.msk [tilespmem:v9+s13+$0x0], $0xffff  }
0x160: {  	v11 =	vmov s7;
	s8 =	simm.s32 $0x0;
	v12 =	vor.u32 v1, v17  }
0x161: {  	s9 =	simm.s32 $0x80;
	v11 =	vand.u32 $0x1E, v11;
	s0 =	sand.u32 $0xC00, s8  }
0x162: {  	s28 =	simm.s32 $0x1D040;
	v16 =	vbroadcast v11, $0x0;
	s1 =	sand.u32 $0x280, s9;
	s0 =	sor.u32 $0x1D000, s0  }
0x163: {  	s12 =	simm.s32 $0x3;
	s6 =	sor.u32 s1, s0;
	[tilespmem:s28+$0xFFFFFFC0] =	vst v8  }
0x164: {  	v8 =	vor.u32 v0, v16;
	[tilespmem:s6+$0x0] =	vst v9;
	v9 =	vld.idx.msk [tilespmem:v10+s13+$0x0], $0xffff;
	v10 =	vmov s12  }
0x165: {  	v11 =	vld.idx.msk [tilespmem:v12+s13+$0x0], $0xffff;
	v12 =	vor.u32 v2, v15;
	v10 =	vand.u32 $0x1F, v10  }
0x166: {  	v13 =	vor.u32 v2, v17;
	v18 =	vbroadcast v10, $0x0;
	_ =	sdelay $0x1  }
0x167: {  	s18 =	simm.s32 $0x4;
	v14 =	vor.u32 v0, v18  }
0x168: {  	v19 =	vld.idx.msk [tilespmem:v8+s13+$0x0], $0xffff;
	v8 =	vmov s18;
	[tilespmem:s28+$0xFFFFFFD0] =	vst v9  }
0x169: {  	s19 =	simm.s32 $0x5;
	v20 =	vor.u32 v1, v16;
	v8 =	vand.u32 $0x1C, v8;
	[tilespmem:s6+$0x10] =	vst v11;
	v11 =	vld.idx.msk [tilespmem:v12+s13+$0x0], $0xffff  }
0x16a: {  	s21 =	simm.s32 $0x100;
	s26 =	simm.s32 $0x6;
	v9 =	vmov s19;
	v8 =	vbroadcast v8, $0x0;
	v12 =	vld.idx.msk [tilespmem:v13+s13+$0x0], $0xffff;
	v13 =	vor.u32 v3, v15  }
0x16b: {  	v22 =	vmov s26;
	s3 =	sand.u32 $0x300, s21;
	v21 =	vor.u32 v3, v17;
	v9 =	vand.u32 $0x1D, v9  }
0x16c: {  	s31 =	sor.u32 s3, s0;
	v10 =	vbroadcast v9, $0x0;
	v9 =	vand.u32 $0x1E, v22;
	v22 =	vor.u32 v0, v8;
	v14 =	vld.idx.msk [tilespmem:v14+s13+$0x0], $0xffff  }
0x16d: {  	v9 =	vbroadcast v9, $0x0;
	[tilespmem:s31+$0x0] =	vst v19;
	v19 =	vor.u32 v1, v18  }
0x16e: {  	s7 =	simm.s32 $0x180;
	v23 =	vor.u32 v0, v10;
	v20 =	vld.idx.msk [tilespmem:v20+s13+$0x0], $0xffff;
	[tilespmem:s28+$0xFFFFFFE0] =	vst v11  }
0x16f: {  	s1 =	sand.u32 $0x380, s7;
	v11 =	vor.u32 v0, v9;
	[tilespmem:s6+$0x20] =	vst v12;
	v12 =	vld.idx.msk [tilespmem:v13+s13+$0x0], $0xffff  }
0x170: {  	s1 =	sor.u32 s1, s0;
	v13 =	vld.idx.msk [tilespmem:v21+s13+$0x0], $0xffff;
	v21 =	vor.u32 v4, v15  }
0x171: {  	v24 =	vor.u32 v4, v17;
	v22 =	vld.idx.msk [tilespmem:v22+s13+$0x0], $0xffff;
	[tilespmem:s1+$0x0] =	vst v14  }
0x172: {  	v14 =	vor.u32 v2, v16;
	v19 =	vld.idx.msk [tilespmem:v19+s13+$0x0], $0xffff  }
0x173: {  	v25 =	vor.u32 v2, v18;
	v23 =	vld.idx.msk [tilespmem:v23+s13+$0x0], $0xffff  }
0x174: {  	v26 =	vor.u32 v1, v8;
	v11 =	vld.idx.msk [tilespmem:v11+s13+$0x0], $0xffff;
	[tilespmem:s28+$0xFFFFFFF0] =	vst v12  }
0x175: {  	s8 =	simm.s32 $0x200;
	v12 =	vor.u32 v1, v10;
	[tilespmem:s6+$0x30] =	vst v13;
	v13 =	vld.idx.msk [tilespmem:v21+s13+$0x0], $0xffff  }
0x176: {  	s9 =	simm.s32 $0x280;
	s0 =	sand.u32 $0xC00, s8;
	[tilespmem:s31+$0x10] =	vst v20;
	v21 =	vor.u32 v5, v15;
	v20 =	vld.idx.msk [tilespmem:v24+s13+$0x0], $0xffff  }
0x177: {  	s26 =	simm.s32 $0x1D240;
	s3 =	sand.u32 $0x280, s9;
	s0 =	sor.u32 $0x1D000, s0;
	v24 =	vor.u32 v1, v9;
	v14 =	vld.idx.msk [tilespmem:v14+s13+$0x0], $0xffff;
	[tilespmem:s1+$0x10] =	vst v19  }
0x178: {  	s30 =	sor.u32 s3, s0;
	s12 =	simm.s32 $0x300;
	[tilespmem:s26+$0xFFFFFFC0] =	vst v22;
	v19 =	vor.u32 v3, v16;
	v22 =	vld.idx.msk [tilespmem:v25+s13+$0x0], $0xffff  }
0x179: {  	s18 =	sand.u32 $0x300, s12;
	[tilespmem:s30+$0x0] =	vst v23;
	v23 =	vld.idx.msk [tilespmem:v26+s13+$0x0], $0xffff;
	v25 =	vor.u32 v3, v18  }
0x17a: {  	s19 =	simm.s32 $0x7;
	s29 =	sor.u32 s18, s0;
	v12 =	vld.idx.msk [tilespmem:v12+s13+$0x0], $0xffff;
	[tilespmem:s28+$0x0] =	vst v13;
	v13 =	vor.u32 v5, v17  }
0x17b: {  	v27 =	vor.u32 v2, v10;
	v26 =	vmov s19;
	[tilespmem:s29+$0x0] =	vst v11;
	v21 =	vld.idx.msk [tilespmem:v21+s13+$0x0], $0xffff  }
0x17c: {  	v11 =	vand.u32 $0x1F, v26;
	v24 =	vld.idx.msk [tilespmem:v24+s13+$0x0], $0xffff;
	[tilespmem:s31+$0x20] =	vst v14;
	v14 =	vor.u32 v2, v8  }
0x17d: {  	v11 =	vbroadcast v11, $0x0;
	v19 =	vld.idx.msk [tilespmem:v19+s13+$0x0], $0xffff;
	[tilespmem:s1+$0x20] =	vst v22;
	v22 =	vor.u32 v6, v15  }
0x17e: {  	v28 =	vor.u32 v4, v16;
	[tilespmem:s6+$0x40] =	vst v20;
	v20 =	vld.idx.msk [tilespmem:v25+s13+$0x0], $0xffff  }
0x17f: {  	s21 =	simm.s32 $0x8;
	v25 =	vor.u32 v0, v11;
	[tilespmem:s30+$0x10] =	vst v12;
	v26 =	vld.idx.msk [tilespmem:v13+s13+$0x0], $0xffff  }
0x180: {  	s7 =	simm.s32 $0x9;
	v29 =	vor.u32 v4, v18;
	[tilespmem:s26+$0xFFFFFFD0] =	vst v23;
	v12 =	vmov s21;
	v23 =	vld.idx.msk [tilespmem:v27+s13+$0x0], $0xffff  }
0x181: {  	v12 =	vand.u32 $0x1C, v12;
	v13 =	vmov s7;
	v27 =	vor.u32 v3, v10;
	[tilespmem:s28+$0x10] =	vst v21;
	v21 =	vld.idx.msk [tilespmem:v14+s13+$0x0], $0xffff  }
0x182: {  	v30 =	vor.u32 v6, v17;
	s8 =	simm.s32 $0xA;
	v12 =	vbroadcast v12, $0x0;
	v13 =	vand.u32 $0x1D, v13;
	[tilespmem:s31+$0x30] =	vst v19;
	v22 =	vld.idx.msk [tilespmem:v22+s13+$0x0], $0xffff  }
0x183: {  	v14 =	vmov s8;
	v13 =	vbroadcast v13, $0x0;
	v19 =	vor.u32 v3, v8;
	v28 =	vld.idx.msk [tilespmem:v28+s13+$0x0], $0xffff  }
0x184: {  	v14 =	vand.u32 $0x1E, v14;
	v25 =	vld.idx.msk [tilespmem:v25+s13+$0x0], $0xffff;
	[tilespmem:s1+$0x30] =	vst v20;
	v20 =	vor.u32 v0, v12  }
0x185: {  	v14 =	vbroadcast v14, $0x0;
	v31 =	vor.u32 v0, v13;
	[tilespmem:s30+$0x20] =	vst v23;
	v23 =	vld.idx.msk [tilespmem:v29+s13+$0x0], $0xffff  }
0x186: {  	v29 =	vor.u32 v1, v11;
	[tilespmem:s6+$0x50] =	vst v26;
	v27 =	vld.idx.msk [tilespmem:v27+s13+$0x0], $0xffff  }
0x187: {  	s9 =	simm.s32 $0x380;
	v26 =	vor.u32 v0, v14;
	[tilespmem:s26+$0xFFFFFFE0] =	vst v21;
	v21 =	vld.idx.msk [tilespmem:v30+s13+$0x0], $0xffff  }
0x188: {  	s3 =	sand.u32 $0x380, s9;
	[tilespmem:s29+$0x10] =	vst v24;
	v24 =	vor.u32 v4, v10;
	v19 =	vld.idx.msk [tilespmem:v19+s13+$0x0], $0xffff  }
0x189: {  	s0 =	sor.u32 s3, s0;
	v17 =	vor.u32 v7, v17;
	[tilespmem:s31+$0x40] =	vst v28;
	v20 =	vld.idx.msk [tilespmem:v20+s13+$0x0], $0xffff  }
0x18a: {  	v28 =	vor.u32 v5, v16;
	[tilespmem:s0+$0x0] =	vst v25;
	v25 =	vld.idx.msk [tilespmem:v31+s13+$0x0], $0xffff  }
0x18b: {  	v30 =	vor.u32 v5, v18;
	v29 =	vld.idx.msk [tilespmem:v29+s13+$0x0], $0xffff;
	[tilespmem:s1+$0x40] =	vst v23  }
0x18c: {  	v23 =	vld.idx.msk [tilespmem:v26+s13+$0x0], $0xffff;
	v26 =	vor.u32 v4, v8;
	[tilespmem:s30+$0x30] =	vst v27  }
0x18d: {  	s12 =	simm.s32 $0x400;
	v27 =	vor.u32 v1, v12;
	[tilespmem:s6+$0x60] =	vst v21;
	v24 =	vld.idx.msk [tilespmem:v24+s13+$0x0], $0xffff  }
0x18e: {  	s3 =	sand.u32 $0xC00, s12;
	s18 =	simm.s32 $0x480;
	s12 =	simm.s32 $0x1D440;
	v21 =	vor.u32 v2, v9;
	[tilespmem:s26+$0xFFFFFFF0] =	vst v19;
	v17 =	vld.idx.msk [tilespmem:v17+s13+$0x0], $0xffff  }
0x18f: {  	s7 =	sand.u32 $0x280, s18;
	s8 =	sor.u32 $0x1D000, s3;
	v19 =	vor.u32 v1, v13;
	[tilespmem:s12+$0xFFFFFFC0] =	vst v20;
	v20 =	vld.idx.msk [tilespmem:v28+s13+$0x0], $0xffff  }
0x190: {  	v15 =	vor.u32 v7, v15;
	s3 =	sor.u32 s7, s8;
	[tilespmem:s28+$0x20] =	vst v22;
	v28 =	vld.idx.msk [tilespmem:v30+s13+$0x0], $0xffff  }
0x191: {  	[tilespmem:s3+$0x0] =	vst v25;
	v25 =	vor.u32 v2, v11;
	v26 =	vld.idx.msk [tilespmem:v26+s13+$0x0], $0xffff  }
0x192: {  	v22 =	vor.u32 v6, v16;
	[tilespmem:s0+$0x10] =	vst v29;
	v30 =	vld.idx.msk [tilespmem:v27+s13+$0x0], $0xffff  }
0x193: {  	v27 =	vor.u32 v5, v8;
	v21 =	vld.idx.msk [tilespmem:v21+s13+$0x0], $0xffff;
	[tilespmem:s30+$0x40] =	vst v24  }
0x194: {  	v32 =	vor.u32 v5, v10;
	v29 =	vld.idx.msk [tilespmem:v19+s13+$0x0], $0xffff;
	[tilespmem:s6+$0x70] =	vst v17  }
0x195: {  	s19 =	simm.s32 $0x500;
	v24 =	vor.u32 v1, v14;
	v19 =	vld.idx.msk [tilespmem:v15+s13+$0x0], $0xffff;
	[tilespmem:s31+$0x50] =	vst v20  }
0x196: {  	v17 =	vor.u32 v3, v9;
	s6 =	sand.u32 $0x300, s19;
	v25 =	vld.idx.msk [tilespmem:v25+s13+$0x0], $0xffff;
	[tilespmem:s1+$0x50] =	vst v28  }
0x197: {  	s7 =	sor.u32 s6, s8;
	v20 =	vor.u32 v6, v18;
	v22 =	vld.idx.msk [tilespmem:v22+s13+$0x0], $0xffff;
	[tilespmem:s26+$0x0] =	vst v26  }
0x198: {  	s21 =	simm.s32 $0xB;
	[tilespmem:s7+$0x0] =	vst v23;
	v26 =	vor.u32 v3, v11;
	v23 =	vld.idx.msk [tilespmem:v27+s13+$0x0], $0xffff  }
0x199: {  	v15 =	vmov s21;
	v28 =	vor.u32 v7, v16;
	[tilespmem:s29+$0x20] =	vst v21;
	v21 =	vld.idx.msk [tilespmem:v32+s13+$0x0], $0xffff  }
0x19a: {  	v33 =	vor.u32 v2, v13;
	v15 =	vand.u32 $0x1F, v15;
	[tilespmem:s12+$0xFFFFFFD0] =	vst v30;
	v31 =	vld.idx.msk [tilespmem:v24+s13+$0x0], $0xffff  }
0x19b: {  	v15 =	vbroadcast v15, $0x0;
	[tilespmem:s3+$0x10] =	vst v29;
	v27 =	vld.idx.msk [tilespmem:v17+s13+$0x0], $0xffff  }
0x19c: {  	v16 =	vor.u32 v4, v11;
	v29 =	vor.u32 v2, v12;
	[tilespmem:s0+$0x20] =	vst v25;
	v25 =	vld.idx.msk [tilespmem:v20+s13+$0x0], $0xffff  }
0x19d: {  	v30 =	vor.u32 v0, v15;
	v20 =	vor.u32 v6, v8;
	v26 =	vld.idx.msk [tilespmem:v26+s13+$0x0], $0xffff;
	[tilespmem:s31+$0x60] =	vst v22  }
0x19e: {  	v17 =	vor.u32 v2, v14;
	v22 =	vor.u32 v7, v18;
	v24 =	vld.idx.msk [tilespmem:v28+s13+$0x0], $0xffff;
	[tilespmem:s26+$0x10] =	vst v23  }
0x19f: {  	s9 =	simm.s32 $0xC;
	s21 =	simm.s32 $0x580;
	s6 =	sor.u32 $0x2, s25;
	v18 =	vor.u32 v4, v15;
	v23 =	vld.idx.msk [tilespmem:v33+s13+$0x0], $0xffff;
	v28 =	vor.u32 v4, v9;
	[tilespmem:s7+$0x10] =	vst v31  }
.LBB2_7:
0x1a0: {  	s19 =	sadd.s32 $0x1, s9  }
0x1a1: {  	v31 =	vmov s9;
	p1 =	slt.u32 s9, $0x1C;
	v29 =	vld.idx.msk [tilespmem:v29+s13+$0x0], $0xffff;
	v32 =	vor.u32 v6, v10;
	[tilespmem:s29+$0x30] =	vst v27;
	s18 =	smov.u32 s9;
	s9 =	sadd.s32 $0x4, s9  }
0x1a2: {  	v33 =	vor.u32 v3, v13;
	v27 =	vand.u32 $0x1C, v31;
	v31 =	vmov s19;
	s19 =	sadd.s32 $0x2, s18;
	v20 =	vld.idx.msk [tilespmem:v20+s13+$0x0], $0xffff;
	[tilespmem:s1+$0x60] =	vst v25  }
0x1a3: {  	v25 =	vbroadcast v27, $0x0;
	v27 =	vand.u32 $0x1D, v31;
	v31 =	vmov s19;
	[tilespmem:s0+$0x30] =	vst v26;
	v22 =	vld.idx.msk [tilespmem:v22+s13+$0x0], $0xffff  }
0x1a4: {  	v26 =	vbroadcast v27, $0x0;
	v27 =	vand.u32 $0x1E, v31;
	v31 =	vor.u32 v3, v12;
	v30 =	vld.idx.msk [tilespmem:v30+s13+$0x0], $0xffff;
	[tilespmem:s31+$0x70] =	vst v24;
	s31 =	smov.u32 s29;
	s29 =	smov.u32 s7  }
0x1a5: {  	v24 =	vor.u32 v0, v25;
	v27 =	vbroadcast v27, $0x0;
	v28 =	vld.idx.msk [tilespmem:v28+s13+$0x0], $0xffff;
	[tilespmem:s28+$0x30] =	vst v19;
	s28 =	smov.u32 s26;
	s26 =	smov.u32 s12  }
0x1a6: {  	v19 =	vor.u32 v0, v26;
	[tilespmem:s3+$0x20] =	vst v23;
	v23 =	vld.idx.msk [tilespmem:v16+s13+$0x0], $0xffff;
	v16 =	vmov v18  }
0x1a7: {  	v34 =	vor.u32 v1, v15;
	v18 =	vor.u32 v0, v27;
	v33 =	vld.idx.msk [tilespmem:v33+s13+$0x0], $0xffff;
	[tilespmem:s30+$0x50] =	vst v21  }
0x1a8: {  	s7 =	sand.u32 $0x380, s21;
	[tilespmem:s12+$0xFFFFFFE0] =	vst v29;
	v21 =	vld.idx.msk [tilespmem:v32+s13+$0x0], $0xffff  }
0x1a9: {  	v29 =	vld.idx.msk [tilespmem:v31+s13+$0x0], $0xffff;
	v31 =	vor.u32 v4, v13;
	[tilespmem:s1+$0x70] =	vst v22;
	s1 =	smov.u32 s0;
	s0 =	sor.u32 s7, s8  }
0x1aa: {  	v22 =	vld.idx.msk [tilespmem:v24+s13+$0x0], $0xffff;
	[tilespmem:s0+$0x0] =	vst v30;
	v24 =	vor.u32 v7, v10;
	v10 =	vmov v13;
	v13 =	vmov v26  }
0x1ab: {  	v26 =	vor.u32 v5, v9;
	v19 =	vld.idx.msk [tilespmem:v19+s13+$0x0], $0xffff;
	[tilespmem:s31+$0x40] =	vst v28;
	v28 =	vor.u32 v5, v11  }
0x1ac: {  	s21 =	sadd.s32 $0x200, s21;
	v30 =	vor.u32 v1, v25;
	v32 =	vld.idx.msk [tilespmem:v34+s13+$0x0], $0xffff;
	[tilespmem:s1+$0x40] =	vst v23  }
0x1ad: {  	s7 =	sadd.s32 $0xFFFFFE80, s21;
	v23 =	vor.u32 v1, v13;
	v34 =	vor.u32 v4, v12;
	v18 =	vld.idx.msk [tilespmem:v18+s13+$0x0], $0xffff;
	[tilespmem:s3+$0x30] =	vst v33  }
0x1ae: {  	s12 =	sadd.s32 $0x200, s12;
	s8 =	sadd.s32 $0xFFFFFF00, s21;
	s7 =	sand.u32 $0xC00, s7;
	v33 =	vor.u32 v1, v27;
	v31 =	vld.idx.msk [tilespmem:v31+s13+$0x0], $0xffff;
	[tilespmem:s30+$0x60] =	vst v21  }
0x1af: {  	s19 =	sand.u32 $0x280, s8;
	s8 =	sor.u32 $0x1D000, s7;
	s7 =	sadd.s32 $0xFFFFFF80, s21;
	[tilespmem:s26+$0xFFFFFFF0] =	vst v29;
	v21 =	vld.idx.msk [tilespmem:v24+s13+$0x0], $0xffff  }
0x1b0: {  	s19 =	sor.u32 s19, s8;
	s7 =	sand.u32 $0x300, s7;
	[tilespmem:s12+$0xFFFFFFC0] =	vst v22;
	v22 =	vld.idx.msk [tilespmem:v26+s13+$0x0], $0xffff  }
0x1b1: {  	s7 =	sor.u32 s7, s8;
	[tilespmem:s19+$0x0] =	vst v19;
	v19 =	vor.u32 v2, v15;
	v24 =	vld.idx.msk [tilespmem:v28+s13+$0x0], $0xffff  }
0x1b2: {  	v26 =	vld.idx.msk [tilespmem:v34+s13+$0x0], $0xffff;
	[tilespmem:s28+$0x20] =	vst v20;
	v20 =	vor.u32 v6, v9  }
0x1b3: {  	v29 =	vor.u32 v7, v8;
	v8 =	vmov v12;
	v12 =	vmov v25;
	v28 =	vld.idx.msk [tilespmem:v30+s13+$0x0], $0xffff;
	[tilespmem:s0+$0x10] =	vst v32  }
0x1b4: {  	v25 =	vor.u32 v5, v8;
	v32 =	vor.u32 v2, v13;
	[tilespmem:s3+$0x40] =	vst v31;
	v30 =	vld.idx.msk [tilespmem:v17+s13+$0x0], $0xffff  }
0x1b5: {  	v17 =	vor.u32 v2, v27;
	v23 =	vld.idx.msk [tilespmem:v23+s13+$0x0], $0xffff;
	[tilespmem:s30+$0x70] =	vst v21;
	s30 =	smov.u32 s3;
	s3 =	smov.u32 s19  }
0x1b6: {  	v34 =	vor.u32 v6, v11;
	v21 =	vor.u32 v3, v14;
	v31 =	vld.idx.msk [tilespmem:v19+s13+$0x0], $0xffff;
	[tilespmem:s31+$0x50] =	vst v22  }
0x1b7: {  	v35 =	vld.idx.msk [tilespmem:v20+s13+$0x0], $0xffff;
	[tilespmem:s1+$0x50] =	vst v24  }
0x1b8: {  	v24 =	vor.u32 v3, v15;
	[tilespmem:s26+$0x0] =	vst v26;
	v19 =	vld.idx.msk [tilespmem:v29+s13+$0x0], $0xffff  }
0x1b9: {  	[tilespmem:s7+$0x0] =	vst v18;
	v36 =	vld.idx.msk [tilespmem:v25+s13+$0x0], $0xffff;
	v18 =	vor.u32 v7, v9;
	v9 =	vmov v14;
	v14 =	vmov v27  }
0x1ba: {  	s18 =	sadd.s32 $0x3, s18;
	v37 =	vor.u32 v5, v10;
	v33 =	vld.idx.msk [tilespmem:v33+s13+$0x0], $0xffff;
	[tilespmem:s29+$0x20] =	vst v30  }
0x1bb: {  	v22 =	vor.u32 v7, v11;
	v11 =	vmov v15;
	v20 =	vmov s18;
	[tilespmem:s3+$0x10] =	vst v23;
	v27 =	vld.idx.msk [tilespmem:v21+s13+$0x0], $0xffff  }
.Ltmp2:
0x1bc: {  	v29 =	vor.u32 v2, v12;
	v15 =	vand.u32 $0x1F, v20;
	[tilespmem:s0+$0x20] =	vst v31;
	v25 =	vld.idx.msk [tilespmem:v34+s13+$0x0], $0xffff;
	(pc) =	sbr.rel @p1 .LBB2_7-.Ltmp2, $4  }
0x1bd: {  	v20 =	vor.u32 v6, v8;
	v15 =	vbroadcast v15, $0x0;
	v26 =	vld.idx.msk [tilespmem:v24+s13+$0x0], $0xffff;
	[tilespmem:s31+$0x60] =	vst v35  }
0x1be: {  	[tilespmem:s12+$0xFFFFFFD0] =	vst v28;
	v24 =	vld.idx.msk [tilespmem:v18+s13+$0x0], $0xffff  }
0x1bf: {  	v30 =	vor.u32 v0, v15;
	v18 =	vor.u32 v4, v15;
	[tilespmem:s26+$0x10] =	vst v36;
	v21 =	vld.idx.msk [tilespmem:v37+s13+$0x0], $0xffff  }
0x1c0: {  	v28 =	vor.u32 v4, v9;
	v23 =	vld.idx.msk [tilespmem:v32+s13+$0x0], $0xffff;
	[tilespmem:s7+$0x10] =	vst v33  }
0x1c1: {  	_ =	sdelay $0x3  }
0x1c2: {  	v30 =	vld.idx.msk [tilespmem:v30+s13+$0x0], $0xffff  }
0x1c3: {  	v31 =	vor.u32 v1, v15;
	_ =	sdelay $0x1  }
0x1c4: {  	[tilespmem:s29+$0x30] =	vst v27;
	s9 =	sand.u32 $0x380, s21  }
0x1c5: {  	[tilespmem:s1+$0x60] =	vst v25;
	s8 =	sor.u32 s9, s8  }
0x1c6: {  	[tilespmem:s8+$0x0] =	vst v30  }
0x1c7: {  	[tilespmem:s0+$0x30] =	vst v26;
	v25 =	vld.idx.msk [tilespmem:v31+s13+$0x0], $0xffff  }
0x1c8: {  	v26 =	vld.idx.msk [tilespmem:v29+s13+$0x0], $0xffff;
	[tilespmem:s31+$0x70] =	vst v24;
	v24 =	vor.u32 v2, v15  }
0x1c9: {  	[tilespmem:s28+$0x30] =	vst v19;
	v19 =	vor.u32 v6, v10;
	v22 =	vld.idx.msk [tilespmem:v22+s13+$0x0], $0xffff  }
0x1ca: {  	v17 =	vld.idx.msk [tilespmem:v17+s13+$0x0], $0xffff;
	[tilespmem:s3+$0x20] =	vst v23;
	v23 =	vor.u32 v3, v12  }
0x1cb: {  	v27 =	vor.u32 v3, v13;
	v28 =	vld.idx.msk [tilespmem:v28+s13+$0x0], $0xffff;
	[tilespmem:s30+$0x50] =	vst v21  }
0x1cc: {  	v16 =	vld.idx.msk [tilespmem:v16+s13+$0x0], $0xffff;
	v21 =	vor.u32 v3, v14;
	[tilespmem:s8+$0x10] =	vst v25  }
0x1cd: {  	[tilespmem:s12+$0xFFFFFFE0] =	vst v26;
	v24 =	vld.idx.msk [tilespmem:v24+s13+$0x0], $0xffff  }
0x1ce: {  	v19 =	vld.idx.msk [tilespmem:v19+s13+$0x0], $0xffff;
	[tilespmem:s1+$0x70] =	vst v22;
	v22 =	vor.u32 v3, v15  }
0x1cf: {  	v10 =	vor.u32 v7, v10;
	[tilespmem:s7+$0x20] =	vst v17;
	v23 =	vld.idx.msk [tilespmem:v23+s13+$0x0], $0xffff  }
0x1d0: {  	[tilespmem:s29+$0x40] =	vst v28;
	v25 =	vld.idx.msk [tilespmem:v27+s13+$0x0], $0xffff;
	v27 =	vor.u32 v5, v9  }
0x1d1: {  	v26 =	vor.u32 v4, v13;
	[tilespmem:s0+$0x40] =	vst v16;
	v16 =	vld.idx.msk [tilespmem:v21+s13+$0x0], $0xffff  }
0x1d2: {  	v17 =	vld.idx.msk [tilespmem:v20+s13+$0x0], $0xffff;
	v20 =	vor.u32 v4, v14;
	[tilespmem:s8+$0x20] =	vst v24  }
0x1d3: {  	v21 =	vor.u32 v4, v12;
	[tilespmem:s30+$0x60] =	vst v19;
	v22 =	vld.idx.msk [tilespmem:v22+s13+$0x0], $0xffff  }
0x1d4: {  	v10 =	vld.idx.msk [tilespmem:v10+s13+$0x0], $0xffff;
	[tilespmem:s12+$0xFFFFFFF0] =	vst v23  }
0x1d5: {  	v19 =	vor.u32 v5, v11;
	[tilespmem:s3+$0x30] =	vst v25;
	v23 =	vld.idx.msk [tilespmem:v27+s13+$0x0], $0xffff  }
0x1d6: {  	[tilespmem:s7+$0x30] =	vst v16;
	v25 =	vor.u32 v6, v9;
	v24 =	vld.idx.msk [tilespmem:v26+s13+$0x0], $0xffff  }
0x1d7: {  	[tilespmem:s26+$0x20] =	vst v17;
	v16 =	vor.u32 v5, v13;
	v17 =	vld.idx.msk [tilespmem:v20+s13+$0x0], $0xffff  }
0x1d8: {  	v20 =	vld.idx.msk [tilespmem:v21+s13+$0x0], $0xffff;
	v21 =	vor.u32 v5, v14;
	[tilespmem:s8+$0x30] =	vst v22  }
0x1d9: {  	[tilespmem:s30+$0x70] =	vst v10;
	v22 =	vor.u32 v5, v12;
	v18 =	vld.idx.msk [tilespmem:v18+s13+$0x0], $0xffff  }
0x1da: {  	v19 =	vld.idx.msk [tilespmem:v19+s13+$0x0], $0xffff;
	[tilespmem:s29+$0x50] =	vst v23;
	v23 =	vor.u32 v5, v15  }
0x1db: {  	v10 =	vor.u32 v6, v11;
	[tilespmem:s3+$0x40] =	vst v24;
	v24 =	vld.idx.msk [tilespmem:v25+s13+$0x0], $0xffff  }
0x1dc: {  	v9 =	vor.u32 v7, v9;
	[tilespmem:s7+$0x40] =	vst v17;
	v16 =	vld.idx.msk [tilespmem:v16+s13+$0x0], $0xffff  }
0x1dd: {  	v17 =	vor.u32 v6, v13;
	[tilespmem:s12+$0x0] =	vst v20;
	v20 =	vld.idx.msk [tilespmem:v21+s13+$0x0], $0xffff  }
0x1de: {  	v21 =	vld.idx.msk [tilespmem:v22+s13+$0x0], $0xffff;
	[tilespmem:s8+$0x40] =	vst v18;
	v18 =	vor.u32 v6, v14  }
0x1df: {  	[tilespmem:s0+$0x50] =	vst v19;
	v19 =	vor.u32 v6, v12;
	v22 =	vld.idx.msk [tilespmem:v23+s13+$0x0], $0xffff  }
0x1e0: {  	v10 =	vld.idx.msk [tilespmem:v10+s13+$0x0], $0xffff;
	[tilespmem:s29+$0x60] =	vst v24;
	v23 =	vor.u32 v6, v15  }
0x1e1: {  	v8 =	vor.u32 v7, v8;
	v9 =	vld.idx.msk [tilespmem:v9+s13+$0x0], $0xffff;
	[tilespmem:s3+$0x50] =	vst v16  }
0x1e2: {  	v11 =	vor.u32 v7, v11;
	[tilespmem:s7+$0x50] =	vst v20;
	v16 =	vld.idx.msk [tilespmem:v17+s13+$0x0], $0xffff  }
0x1e3: {  	v13 =	vor.u32 v7, v13;
	[tilespmem:s12+$0x10] =	vst v21;
	v17 =	vld.idx.msk [tilespmem:v18+s13+$0x0], $0xffff  }
0x1e4: {  	v14 =	vor.u32 v7, v14;
	v18 =	vld.idx.msk [tilespmem:v19+s13+$0x0], $0xffff;
	[tilespmem:s8+$0x50] =	vst v22  }
0x1e5: {  	[tilespmem:s0+$0x60] =	vst v10;
	v10 =	vor.u32 v7, v12;
	v12 =	vld.idx.msk [tilespmem:v23+s13+$0x0], $0xffff  }
0x1e6: {  	v8 =	vld.idx.msk [tilespmem:v8+s13+$0x0], $0xffff;
	[tilespmem:s29+$0x70] =	vst v9;
	v9 =	vor.u32 v7, v15  }
0x1e7: {  	v11 =	vld.idx.msk [tilespmem:v11+s13+$0x0], $0xffff;
	[tilespmem:s3+$0x60] =	vst v16  }
0x1e8: {  	v13 =	vld.idx.msk [tilespmem:v13+s13+$0x0], $0xffff;
	[tilespmem:s7+$0x60] =	vst v17  }
0x1e9: {  	[tilespmem:s12+$0x20] =	vst v18;
	v14 =	vld.idx.msk [tilespmem:v14+s13+$0x0], $0xffff  }
0x1ea: {  	v10 =	vld.idx.msk [tilespmem:v10+s13+$0x0], $0xffff;
	[tilespmem:s8+$0x60] =	vst v12  }
0x1eb: {  	[tilespmem:s26+$0x30] =	vst v8;
	v8 =	vld.idx.msk [tilespmem:v9+s13+$0x0], $0xffff  }
0x1ec: {  	s6 =	sadd.s32 s5, s6;
	[tilespmem:s0+$0x70] =	vst v11  }
0x1ed: {  	s9 =	sshll.u32 s6, $0x7;
	[tilespmem:s3+$0x70] =	vst v13  }
0x1ee: {  	s1 =	sand.u32 $0x3F00, s9;
	s0 =	sshll.u32 s6, $0x9;
	[tilespmem:s7+$0x70] =	vst v14  }
0x1ef: {  	s18 =	simm.s32 $0x0;
	s1 =	sadd.s32 s2, s1;
	s0 =	sand.u32 $0xFFF0000, s0;
	[tilespmem:s12+$0x30] =	vst v10  }
0x1f0: {  	s21 =	simm.s32 $0x1D000;
	s19 =	simm.s32 $0x1;
	s0 =	sadd.s32 s0, s1;
	[tilespmem:s8+$0x70] =	vst v8;
	v8 =	vmov s18  }
0x1f1: {  	v9 =	vmov s19;
	[hbm4b:s0+s16] =	stream.strided.scatter [tilespmem:s21], [sflag:$0x2], $0x1000, s17, s16, $0x38;
	v8 =	vand.u32 $0x1C, v8;
	[tilespmem:$0x1F000] =	vst v63  }
0x1f2: {  	_ =	swait.ge [sflag:s14], $0x1000;
	v15 =	vbroadcast v8, $0x0;
	v8 =	vand.u32 $0x1D, v9  }
0x1f3: {  	s1 =	simm.s32 @!p0 $0x80;
	[sflag:s14] =	ssyncset.done $0x0;
	v17 =	vbroadcast v8, $0x0  }
0x1f4: {  	s3 =	simm.s32 @!p0 $0x1B000;
	s0 =	sadd.s32 @!p0 $0x300, s24;
	[sflag:s14] =	ssyncadd.s32 $0xFFFFF000;
	v8 =	vor.u32 v0, v15  }
0x1f5: {  	[tilespmem:s3], [sflag:$0x1] =	stream.indirect.gather @!p0 [hbm4b:s4+s1], $0x20, s0, s1, $0xb8;
	v9 =	vor.u32 v0, v17;
	[tilespmem:$0x1F000] =	vst v63  }
0x1f6: {  	_ =	swait.ge [sflag:s20], $0x1000  }
0x1f7: {  	[sflag:s20] =	ssyncset.done $0x0  }
0x1f8: {  	[sflag:s20] =	ssyncadd.s32 $0xFFFFF000  }
0x1f9: {  	v8 =	vld.idx.msk [tilespmem:v8+s15+$0x0], $0xffff  }
0x1fa: {  	s24 =	simm.s32 $0x2;
	v10 =	vor.u32 v1, v15;
	v9 =	vld.idx.msk [tilespmem:v9+s15+$0x0], $0xffff  }
0x1fb: {  	s25 =	simm.s32 $0x0;
	v11 =	vmov s24;
	v12 =	vor.u32 v1, v17  }
0x1fc: {  	s26 =	simm.s32 $0x80;
	v11 =	vand.u32 $0x1E, v11;
	s0 =	sand.u32 $0xC00, s25  }
0x1fd: {  	v16 =	vbroadcast v11, $0x0;
	s25 =	simm.s32 $0x1E040;
	s1 =	sand.u32 $0x280, s26;
	s0 =	sor.u32 $0x1E000, s0  }
0x1fe: {  	s30 =	simm.s32 $0x3;
	s6 =	sor.u32 s1, s0;
	[tilespmem:s25+$0xFFFFFFC0] =	vst v8  }
0x1ff: {  	v8 =	vor.u32 v0, v16;
	[tilespmem:s6+$0x0] =	vst v9;
	v9 =	vld.idx.msk [tilespmem:v10+s15+$0x0], $0xffff;
	v10 =	vmov s30  }
0x200: {  	v11 =	vld.idx.msk [tilespmem:v12+s15+$0x0], $0xffff;
	v12 =	vor.u32 v2, v15;
	v10 =	vand.u32 $0x1F, v10  }
0x201: {  	v13 =	vor.u32 v2, v17;
	v18 =	vbroadcast v10, $0x0;
	_ =	sdelay $0x1  }
0x202: {  	s31 =	simm.s32 $0x4;
	v14 =	vor.u32 v0, v18  }
0x203: {  	v19 =	vld.idx.msk [tilespmem:v8+s15+$0x0], $0xffff;
	v8 =	vmov s31;
	[tilespmem:s25+$0xFFFFFFD0] =	vst v9  }
0x204: {  	s3 =	simm.s32 $0x5;
	v20 =	vor.u32 v1, v16;
	v8 =	vand.u32 $0x1C, v8;
	[tilespmem:s6+$0x10] =	vst v11;
	v11 =	vld.idx.msk [tilespmem:v12+s15+$0x0], $0xffff  }
0x205: {  	s7 =	simm.s32 $0x100;
	s8 =	simm.s32 $0x6;
	v9 =	vmov s3;
	v8 =	vbroadcast v8, $0x0;
	v12 =	vld.idx.msk [tilespmem:v13+s15+$0x0], $0xffff;
	v13 =	vor.u32 v3, v15  }
0x206: {  	v22 =	vmov s8;
	v21 =	vor.u32 v3, v17;
	s3 =	sand.u32 $0x300, s7;
	v9 =	vand.u32 $0x1D, v9  }
0x207: {  	s29 =	sor.u32 s3, s0;
	v10 =	vbroadcast v9, $0x0;
	v9 =	vand.u32 $0x1E, v22;
	v22 =	vor.u32 v0, v8;
	v14 =	vld.idx.msk [tilespmem:v14+s15+$0x0], $0xffff  }
0x208: {  	v9 =	vbroadcast v9, $0x0;
	[tilespmem:s29+$0x0] =	vst v19;
	v19 =	vor.u32 v1, v18  }
0x209: {  	s9 =	simm.s32 $0x180;
	v23 =	vor.u32 v0, v10;
	v20 =	vld.idx.msk [tilespmem:v20+s15+$0x0], $0xffff;
	[tilespmem:s25+$0xFFFFFFE0] =	vst v11  }
0x20a: {  	s1 =	sand.u32 $0x380, s9;
	v11 =	vor.u32 v0, v9;
	[tilespmem:s6+$0x20] =	vst v12;
	v12 =	vld.idx.msk [tilespmem:v13+s15+$0x0], $0xffff  }
0x20b: {  	s1 =	sor.u32 s1, s0;
	v13 =	vld.idx.msk [tilespmem:v21+s15+$0x0], $0xffff;
	v21 =	vor.u32 v4, v15  }
0x20c: {  	v24 =	vor.u32 v4, v17;
	v22 =	vld.idx.msk [tilespmem:v22+s15+$0x0], $0xffff;
	[tilespmem:s1+$0x0] =	vst v14  }
0x20d: {  	v14 =	vor.u32 v2, v16;
	v19 =	vld.idx.msk [tilespmem:v19+s15+$0x0], $0xffff  }
0x20e: {  	v25 =	vor.u32 v2, v18;
	v23 =	vld.idx.msk [tilespmem:v23+s15+$0x0], $0xffff  }
0x20f: {  	v26 =	vor.u32 v1, v8;
	v11 =	vld.idx.msk [tilespmem:v11+s15+$0x0], $0xffff;
	[tilespmem:s25+$0xFFFFFFF0] =	vst v12  }
0x210: {  	s12 =	simm.s32 $0x200;
	v12 =	vor.u32 v1, v10;
	[tilespmem:s6+$0x30] =	vst v13;
	v13 =	vld.idx.msk [tilespmem:v21+s15+$0x0], $0xffff  }
0x211: {  	s18 =	simm.s32 $0x280;
	s0 =	sand.u32 $0xC00, s12;
	[tilespmem:s29+$0x10] =	vst v20;
	v21 =	vor.u32 v5, v15;
	v20 =	vld.idx.msk [tilespmem:v24+s15+$0x0], $0xffff  }
0x212: {  	s24 =	simm.s32 $0x1E240;
	s3 =	sand.u32 $0x280, s18;
	s0 =	sor.u32 $0x1E000, s0;
	v24 =	vor.u32 v1, v9;
	v14 =	vld.idx.msk [tilespmem:v14+s15+$0x0], $0xffff;
	[tilespmem:s1+$0x10] =	vst v19  }
0x213: {  	s19 =	simm.s32 $0x300;
	s28 =	sor.u32 s3, s0;
	[tilespmem:s24+$0xFFFFFFC0] =	vst v22;
	v19 =	vor.u32 v3, v16;
	v22 =	vld.idx.msk [tilespmem:v25+s15+$0x0], $0xffff  }
0x214: {  	s26 =	sand.u32 $0x300, s19;
	[tilespmem:s28+$0x0] =	vst v23;
	v23 =	vld.idx.msk [tilespmem:v26+s15+$0x0], $0xffff;
	v25 =	vor.u32 v3, v18  }
0x215: {  	s30 =	simm.s32 $0x7;
	s26 =	sor.u32 s26, s0;
	v12 =	vld.idx.msk [tilespmem:v12+s15+$0x0], $0xffff;
	[tilespmem:s25+$0x0] =	vst v13;
	v13 =	vor.u32 v5, v17  }
0x216: {  	v27 =	vor.u32 v2, v10;
	v26 =	vmov s30;
	[tilespmem:s26+$0x0] =	vst v11;
	v21 =	vld.idx.msk [tilespmem:v21+s15+$0x0], $0xffff  }
0x217: {  	v11 =	vand.u32 $0x1F, v26;
	v24 =	vld.idx.msk [tilespmem:v24+s15+$0x0], $0xffff;
	[tilespmem:s29+$0x20] =	vst v14;
	v14 =	vor.u32 v2, v8  }
0x218: {  	v11 =	vbroadcast v11, $0x0;
	v19 =	vld.idx.msk [tilespmem:v19+s15+$0x0], $0xffff;
	[tilespmem:s1+$0x20] =	vst v22;
	v22 =	vor.u32 v6, v15  }
0x219: {  	v28 =	vor.u32 v4, v16;
	[tilespmem:s6+$0x40] =	vst v20;
	v20 =	vld.idx.msk [tilespmem:v25+s15+$0x0], $0xffff  }
0x21a: {  	s31 =	simm.s32 $0x8;
	v25 =	vor.u32 v0, v11;
	[tilespmem:s28+$0x10] =	vst v12;
	v26 =	vld.idx.msk [tilespmem:v13+s15+$0x0], $0xffff  }
0x21b: {  	v29 =	vor.u32 v4, v18;
	s7 =	simm.s32 $0x9;
	[tilespmem:s24+$0xFFFFFFD0] =	vst v23;
	v12 =	vmov s31;
	v23 =	vld.idx.msk [tilespmem:v27+s15+$0x0], $0xffff  }
0x21c: {  	v12 =	vand.u32 $0x1C, v12;
	v13 =	vmov s7;
	v27 =	vor.u32 v3, v10;
	[tilespmem:s25+$0x10] =	vst v21;
	v21 =	vld.idx.msk [tilespmem:v14+s15+$0x0], $0xffff  }
0x21d: {  	s8 =	simm.s32 $0xA;
	v30 =	vor.u32 v6, v17;
	v12 =	vbroadcast v12, $0x0;
	v13 =	vand.u32 $0x1D, v13;
	[tilespmem:s29+$0x30] =	vst v19;
	v22 =	vld.idx.msk [tilespmem:v22+s15+$0x0], $0xffff  }
0x21e: {  	v14 =	vmov s8;
	v13 =	vbroadcast v13, $0x0;
	v19 =	vor.u32 v3, v8;
	v28 =	vld.idx.msk [tilespmem:v28+s15+$0x0], $0xffff  }
0x21f: {  	v14 =	vand.u32 $0x1E, v14;
	v25 =	vld.idx.msk [tilespmem:v25+s15+$0x0], $0xffff;
	[tilespmem:s1+$0x30] =	vst v20;
	v20 =	vor.u32 v0, v12  }
0x220: {  	v14 =	vbroadcast v14, $0x0;
	v31 =	vor.u32 v0, v13;
	[tilespmem:s28+$0x20] =	vst v23;
	v23 =	vld.idx.msk [tilespmem:v29+s15+$0x0], $0xffff  }
0x221: {  	v29 =	vor.u32 v1, v11;
	[tilespmem:s6+$0x50] =	vst v26;
	v27 =	vld.idx.msk [tilespmem:v27+s15+$0x0], $0xffff  }
0x222: {  	s9 =	simm.s32 $0x380;
	v26 =	vor.u32 v0, v14;
	[tilespmem:s24+$0xFFFFFFE0] =	vst v21;
	v21 =	vld.idx.msk [tilespmem:v30+s15+$0x0], $0xffff  }
0x223: {  	s3 =	sand.u32 $0x380, s9;
	[tilespmem:s26+$0x10] =	vst v24;
	v24 =	vor.u32 v4, v10;
	v19 =	vld.idx.msk [tilespmem:v19+s15+$0x0], $0xffff  }
0x224: {  	s0 =	sor.u32 s3, s0;
	v17 =	vor.u32 v7, v17;
	[tilespmem:s29+$0x40] =	vst v28;
	v20 =	vld.idx.msk [tilespmem:v20+s15+$0x0], $0xffff  }
0x225: {  	v28 =	vor.u32 v5, v16;
	[tilespmem:s0+$0x0] =	vst v25;
	v25 =	vld.idx.msk [tilespmem:v31+s15+$0x0], $0xffff  }
0x226: {  	v30 =	vor.u32 v5, v18;
	v29 =	vld.idx.msk [tilespmem:v29+s15+$0x0], $0xffff;
	[tilespmem:s1+$0x40] =	vst v23  }
0x227: {  	v23 =	vld.idx.msk [tilespmem:v26+s15+$0x0], $0xffff;
	v26 =	vor.u32 v4, v8;
	[tilespmem:s28+$0x30] =	vst v27  }
0x228: {  	s12 =	simm.s32 $0x400;
	v27 =	vor.u32 v1, v12;
	[tilespmem:s6+$0x60] =	vst v21;
	v24 =	vld.idx.msk [tilespmem:v24+s15+$0x0], $0xffff  }
0x229: {  	s18 =	simm.s32 $0x480;
	s3 =	sand.u32 $0xC00, s12;
	s12 =	simm.s32 $0x1E440;
	v21 =	vor.u32 v2, v9;
	[tilespmem:s24+$0xFFFFFFF0] =	vst v19;
	v17 =	vld.idx.msk [tilespmem:v17+s15+$0x0], $0xffff  }
0x22a: {  	s19 =	sand.u32 $0x280, s18;
	s7 =	sor.u32 $0x1E000, s3;
	v19 =	vor.u32 v1, v13;
	[tilespmem:s12+$0xFFFFFFC0] =	vst v20;
	v20 =	vld.idx.msk [tilespmem:v28+s15+$0x0], $0xffff  }
0x22b: {  	v15 =	vor.u32 v7, v15;
	s3 =	sor.u32 s19, s7;
	[tilespmem:s25+$0x20] =	vst v22;
	v28 =	vld.idx.msk [tilespmem:v30+s15+$0x0], $0xffff  }
0x22c: {  	[tilespmem:s3+$0x0] =	vst v25;
	v25 =	vor.u32 v2, v11;
	v26 =	vld.idx.msk [tilespmem:v26+s15+$0x0], $0xffff  }
0x22d: {  	v22 =	vor.u32 v6, v16;
	[tilespmem:s0+$0x10] =	vst v29;
	v30 =	vld.idx.msk [tilespmem:v27+s15+$0x0], $0xffff  }
0x22e: {  	v27 =	vor.u32 v5, v8;
	v21 =	vld.idx.msk [tilespmem:v21+s15+$0x0], $0xffff;
	[tilespmem:s28+$0x40] =	vst v24  }
0x22f: {  	v32 =	vor.u32 v5, v10;
	v29 =	vld.idx.msk [tilespmem:v19+s15+$0x0], $0xffff;
	[tilespmem:s6+$0x70] =	vst v17  }
0x230: {  	s30 =	simm.s32 $0x500;
	v24 =	vor.u32 v1, v14;
	v19 =	vld.idx.msk [tilespmem:v15+s15+$0x0], $0xffff;
	[tilespmem:s29+$0x50] =	vst v20  }
0x231: {  	v17 =	vor.u32 v3, v9;
	s6 =	sand.u32 $0x300, s30;
	v25 =	vld.idx.msk [tilespmem:v25+s15+$0x0], $0xffff;
	[tilespmem:s1+$0x50] =	vst v28  }
0x232: {  	s6 =	sor.u32 s6, s7;
	v20 =	vor.u32 v6, v18;
	v22 =	vld.idx.msk [tilespmem:v22+s15+$0x0], $0xffff;
	[tilespmem:s24+$0x0] =	vst v26  }
0x233: {  	s31 =	simm.s32 $0xB;
	[tilespmem:s6+$0x0] =	vst v23;
	v26 =	vor.u32 v3, v11;
	v23 =	vld.idx.msk [tilespmem:v27+s15+$0x0], $0xffff  }
0x234: {  	v15 =	vmov s31;
	v28 =	vor.u32 v7, v16;
	[tilespmem:s26+$0x20] =	vst v21;
	v21 =	vld.idx.msk [tilespmem:v32+s15+$0x0], $0xffff  }
0x235: {  	v33 =	vor.u32 v2, v13;
	v15 =	vand.u32 $0x1F, v15;
	[tilespmem:s12+$0xFFFFFFD0] =	vst v30;
	v31 =	vld.idx.msk [tilespmem:v24+s15+$0x0], $0xffff  }
0x236: {  	v15 =	vbroadcast v15, $0x0;
	[tilespmem:s3+$0x10] =	vst v29;
	v27 =	vld.idx.msk [tilespmem:v17+s15+$0x0], $0xffff  }
0x237: {  	v16 =	vor.u32 v4, v11;
	v29 =	vor.u32 v2, v12;
	[tilespmem:s0+$0x20] =	vst v25;
	v25 =	vld.idx.msk [tilespmem:v20+s15+$0x0], $0xffff  }
0x238: {  	v30 =	vor.u32 v0, v15;
	v20 =	vor.u32 v6, v8;
	v26 =	vld.idx.msk [tilespmem:v26+s15+$0x0], $0xffff;
	[tilespmem:s29+$0x60] =	vst v22  }
0x239: {  	v17 =	vor.u32 v2, v14;
	v22 =	vor.u32 v7, v18;
	v24 =	vld.idx.msk [tilespmem:v28+s15+$0x0], $0xffff;
	[tilespmem:s24+$0x10] =	vst v23  }
0x23a: {  	s9 =	simm.s32 $0xC;
	s8 =	simm.s32 $0x580;
	v18 =	vor.u32 v4, v15;
	v23 =	vld.idx.msk [tilespmem:v33+s15+$0x0], $0xffff;
	v28 =	vor.u32 v4, v9;
	[tilespmem:s6+$0x10] =	vst v31  }
.LBB2_9:
0x23b: {  	s19 =	sadd.s32 $0x1, s9  }
0x23c: {  	v31 =	vmov s9;
	p0 =	slt.u32 s9, $0x1C;
	v29 =	vld.idx.msk [tilespmem:v29+s15+$0x0], $0xffff;
	v32 =	vor.u32 v6, v10;
	[tilespmem:s26+$0x30] =	vst v27;
	s18 =	smov.u32 s9;
	s9 =	sadd.s32 $0x4, s9  }
0x23d: {  	v33 =	vor.u32 v3, v13;
	v27 =	vand.u32 $0x1C, v31;
	v31 =	vmov s19;
	s19 =	sadd.s32 $0x2, s18;
	v20 =	vld.idx.msk [tilespmem:v20+s15+$0x0], $0xffff;
	[tilespmem:s1+$0x60] =	vst v25  }
0x23e: {  	v25 =	vbroadcast v27, $0x0;
	v27 =	vand.u32 $0x1D, v31;
	v31 =	vmov s19;
	[tilespmem:s0+$0x30] =	vst v26;
	v22 =	vld.idx.msk [tilespmem:v22+s15+$0x0], $0xffff  }
0x23f: {  	v26 =	vbroadcast v27, $0x0;
	v27 =	vand.u32 $0x1E, v31;
	v31 =	vor.u32 v3, v12;
	v30 =	vld.idx.msk [tilespmem:v30+s15+$0x0], $0xffff;
	[tilespmem:s29+$0x70] =	vst v24;
	s29 =	smov.u32 s26;
	s26 =	smov.u32 s6  }
0x240: {  	v24 =	vor.u32 v0, v25;
	v27 =	vbroadcast v27, $0x0;
	v28 =	vld.idx.msk [tilespmem:v28+s15+$0x0], $0xffff;
	[tilespmem:s25+$0x30] =	vst v19;
	s25 =	smov.u32 s24;
	s24 =	smov.u32 s12  }
0x241: {  	v19 =	vor.u32 v0, v26;
	[tilespmem:s3+$0x20] =	vst v23;
	v23 =	vld.idx.msk [tilespmem:v16+s15+$0x0], $0xffff;
	v16 =	vmov v18  }
0x242: {  	v34 =	vor.u32 v1, v15;
	v18 =	vor.u32 v0, v27;
	v33 =	vld.idx.msk [tilespmem:v33+s15+$0x0], $0xffff;
	[tilespmem:s28+$0x50] =	vst v21  }
0x243: {  	s6 =	sand.u32 $0x380, s8;
	[tilespmem:s12+$0xFFFFFFE0] =	vst v29;
	v21 =	vld.idx.msk [tilespmem:v32+s15+$0x0], $0xffff  }
0x244: {  	v29 =	vld.idx.msk [tilespmem:v31+s15+$0x0], $0xffff;
	v31 =	vor.u32 v4, v13;
	[tilespmem:s1+$0x70] =	vst v22;
	s1 =	smov.u32 s0;
	s0 =	sor.u32 s6, s7  }
0x245: {  	v22 =	vld.idx.msk [tilespmem:v24+s15+$0x0], $0xffff;
	[tilespmem:s0+$0x0] =	vst v30;
	v24 =	vor.u32 v7, v10;
	v10 =	vmov v13;
	v13 =	vmov v26  }
0x246: {  	v26 =	vor.u32 v5, v9;
	v19 =	vld.idx.msk [tilespmem:v19+s15+$0x0], $0xffff;
	[tilespmem:s29+$0x40] =	vst v28;
	v28 =	vor.u32 v5, v11  }
0x247: {  	s8 =	sadd.s32 $0x200, s8;
	v30 =	vor.u32 v1, v25;
	v32 =	vld.idx.msk [tilespmem:v34+s15+$0x0], $0xffff;
	[tilespmem:s1+$0x40] =	vst v23  }
0x248: {  	s6 =	sadd.s32 $0xFFFFFE80, s8;
	v23 =	vor.u32 v1, v13;
	v34 =	vor.u32 v4, v12;
	v18 =	vld.idx.msk [tilespmem:v18+s15+$0x0], $0xffff;
	[tilespmem:s3+$0x30] =	vst v33  }
0x249: {  	s12 =	sadd.s32 $0x200, s12;
	s7 =	sadd.s32 $0xFFFFFF00, s8;
	s6 =	sand.u32 $0xC00, s6;
	v33 =	vor.u32 v1, v27;
	v31 =	vld.idx.msk [tilespmem:v31+s15+$0x0], $0xffff;
	[tilespmem:s28+$0x60] =	vst v21  }
0x24a: {  	s19 =	sand.u32 $0x280, s7;
	s7 =	sor.u32 $0x1E000, s6;
	s6 =	sadd.s32 $0xFFFFFF80, s8;
	[tilespmem:s24+$0xFFFFFFF0] =	vst v29;
	v21 =	vld.idx.msk [tilespmem:v24+s15+$0x0], $0xffff  }
0x24b: {  	s19 =	sor.u32 s19, s7;
	s6 =	sand.u32 $0x300, s6;
	[tilespmem:s12+$0xFFFFFFC0] =	vst v22;
	v22 =	vld.idx.msk [tilespmem:v26+s15+$0x0], $0xffff  }
0x24c: {  	s6 =	sor.u32 s6, s7;
	[tilespmem:s19+$0x0] =	vst v19;
	v19 =	vor.u32 v2, v15;
	v24 =	vld.idx.msk [tilespmem:v28+s15+$0x0], $0xffff  }
0x24d: {  	v26 =	vld.idx.msk [tilespmem:v34+s15+$0x0], $0xffff;
	[tilespmem:s25+$0x20] =	vst v20;
	v20 =	vor.u32 v6, v9  }
0x24e: {  	v29 =	vor.u32 v7, v8;
	v8 =	vmov v12;
	v12 =	vmov v25;
	v28 =	vld.idx.msk [tilespmem:v30+s15+$0x0], $0xffff;
	[tilespmem:s0+$0x10] =	vst v32  }
0x24f: {  	v25 =	vor.u32 v5, v8;
	v32 =	vor.u32 v2, v13;
	[tilespmem:s3+$0x40] =	vst v31;
	v30 =	vld.idx.msk [tilespmem:v17+s15+$0x0], $0xffff  }
0x250: {  	v17 =	vor.u32 v2, v27;
	v23 =	vld.idx.msk [tilespmem:v23+s15+$0x0], $0xffff;
	[tilespmem:s28+$0x70] =	vst v21;
	s28 =	smov.u32 s3;
	s3 =	smov.u32 s19  }
0x251: {  	v34 =	vor.u32 v6, v11;
	v21 =	vor.u32 v3, v14;
	v31 =	vld.idx.msk [tilespmem:v19+s15+$0x0], $0xffff;
	[tilespmem:s29+$0x50] =	vst v22  }
0x252: {  	v35 =	vld.idx.msk [tilespmem:v20+s15+$0x0], $0xffff;
	[tilespmem:s1+$0x50] =	vst v24  }
0x253: {  	v24 =	vor.u32 v3, v15;
	[tilespmem:s24+$0x0] =	vst v26;
	v19 =	vld.idx.msk [tilespmem:v29+s15+$0x0], $0xffff  }
0x254: {  	[tilespmem:s6+$0x0] =	vst v18;
	v36 =	vld.idx.msk [tilespmem:v25+s15+$0x0], $0xffff;
	v18 =	vor.u32 v7, v9;
	v9 =	vmov v14;
	v14 =	vmov v27  }
0x255: {  	s18 =	sadd.s32 $0x3, s18;
	v37 =	vor.u32 v5, v10;
	v33 =	vld.idx.msk [tilespmem:v33+s15+$0x0], $0xffff;
	[tilespmem:s26+$0x20] =	vst v30  }
0x256: {  	v22 =	vor.u32 v7, v11;
	v11 =	vmov v15;
	v20 =	vmov s18;
	[tilespmem:s3+$0x10] =	vst v23;
	v27 =	vld.idx.msk [tilespmem:v21+s15+$0x0], $0xffff  }
.Ltmp3:
0x257: {  	v29 =	vor.u32 v2, v12;
	v15 =	vand.u32 $0x1F, v20;
	[tilespmem:s0+$0x20] =	vst v31;
	v25 =	vld.idx.msk [tilespmem:v34+s15+$0x0], $0xffff;
	(pc) =	sbr.rel @p0 .LBB2_9-.Ltmp3, $4  }
0x258: {  	v20 =	vor.u32 v6, v8;
	v15 =	vbroadcast v15, $0x0;
	v26 =	vld.idx.msk [tilespmem:v24+s15+$0x0], $0xffff;
	[tilespmem:s29+$0x60] =	vst v35  }
0x259: {  	[tilespmem:s12+$0xFFFFFFD0] =	vst v28;
	v24 =	vld.idx.msk [tilespmem:v18+s15+$0x0], $0xffff  }
0x25a: {  	v30 =	vor.u32 v0, v15;
	v18 =	vor.u32 v4, v15;
	[tilespmem:s24+$0x10] =	vst v36;
	v21 =	vld.idx.msk [tilespmem:v37+s15+$0x0], $0xffff  }
0x25b: {  	v28 =	vor.u32 v4, v9;
	v23 =	vld.idx.msk [tilespmem:v32+s15+$0x0], $0xffff;
	[tilespmem:s6+$0x10] =	vst v33  }
0x25c: {  	_ =	sdelay $0x3  }
0x25d: {  	v30 =	vld.idx.msk [tilespmem:v30+s15+$0x0], $0xffff  }
0x25e: {  	v31 =	vor.u32 v1, v15;
	_ =	sdelay $0x1  }
0x25f: {  	[tilespmem:s26+$0x30] =	vst v27;
	s8 =	sand.u32 $0x380, s8  }
0x260: {  	[tilespmem:s1+$0x60] =	vst v25;
	s7 =	sor.u32 s8, s7  }
0x261: {  	[tilespmem:s7+$0x0] =	vst v30  }
0x262: {  	[tilespmem:s25+$0x30] =	vst v19;
	v54 =	vld.idx.msk [tilespmem:v31+s15+$0x0], $0xffff  }
0x263: {  	v55 =	vld.idx.msk [tilespmem:v29+s15+$0x0], $0xffff;
	v56 =	vor.u32 v2, v15;
	[tilespmem:s0+$0x30] =	vst v26  }
0x264: {  	v17 =	vld.idx.msk [tilespmem:v17+s15+$0x0], $0xffff;
	[tilespmem:s29+$0x70] =	vst v24  }
0x265: {  	v57 =	vor.u32 v3, v13;
	v33 =	vld.idx.msk [tilespmem:v20+s15+$0x0], $0xffff;
	[tilespmem:s28+$0x50] =	vst v21  }
0x266: {  	v58 =	vor.u32 v6, v10;
	v22 =	vld.idx.msk [tilespmem:v22+s15+$0x0], $0xffff;
	[tilespmem:s3+$0x20] =	vst v23  }
0x267: {  	v60 =	vor.u32 v3, v14;
	v28 =	vld.idx.msk [tilespmem:v28+s15+$0x0], $0xffff;
	[tilespmem:s7+$0x10] =	vst v54  }
0x268: {  	v59 =	vor.u32 v3, v12;
	[tilespmem:s12+$0xFFFFFFE0] =	vst v55;
	v24 =	vld.idx.msk [tilespmem:v56+s15+$0x0], $0xffff  }
0x269: {  	v62 =	vor.u32 v3, v15;
	v16 =	vld.idx.msk [tilespmem:v16+s15+$0x0], $0xffff;
	[tilespmem:s6+$0x20] =	vst v17  }
0x26a: {  	v8 =	vor.u32 v7, v8;
	v61 =	vld.idx.msk [tilespmem:v57+s15+$0x0], $0xffff;
	[tilespmem:s24+$0x20] =	vst v33  }
0x26b: {  	v19 =	vld.idx.msk [tilespmem:v58+s15+$0x0], $0xffff;
	v30 =	vor.u32 v5, v9;
	[tilespmem:s1+$0x70] =	vst v22  }
0x26c: {  	v63 =	vor.u32 v4, v13;
	[tilespmem:s26+$0x40] =	vst v28;
	v32 =	vld.idx.msk [tilespmem:v60+s15+$0x0], $0xffff  }
0x26d: {  	v34 =	vor.u32 v4, v14;
	v23 =	vld.idx.msk [tilespmem:v59+s15+$0x0], $0xffff;
	[tilespmem:s7+$0x20] =	vst v24  }
0x26e: {  	v35 =	vor.u32 v4, v12;
	[tilespmem:s0+$0x40] =	vst v16;
	v22 =	vld.idx.msk [tilespmem:v62+s15+$0x0], $0xffff  }
0x26f: {  	v8 =	vld.idx.msk [tilespmem:v8+s15+$0x0], $0xffff;
	[tilespmem:s3+$0x30] =	vst v61  }
0x270: {  	v37 =	vor.u32 v5, v11;
	[tilespmem:s28+$0x60] =	vst v19;
	v38 =	vld.idx.msk [tilespmem:v30+s15+$0x0], $0xffff  }
0x271: {  	v31 =	vor.u32 v7, v10;
	v36 =	vld.idx.msk [tilespmem:v63+s15+$0x0], $0xffff;
	[tilespmem:s6+$0x30] =	vst v32  }
0x272: {  	v40 =	vor.u32 v5, v13;
	[tilespmem:s12+$0xFFFFFFF0] =	vst v23;
	v41 =	vld.idx.msk [tilespmem:v34+s15+$0x0], $0xffff  }
0x273: {  	v43 =	vor.u32 v5, v14;
	v42 =	vld.idx.msk [tilespmem:v35+s15+$0x0], $0xffff;
	[tilespmem:s7+$0x30] =	vst v22  }
0x274: {  	v44 =	vor.u32 v5, v12;
	[tilespmem:s24+$0x30] =	vst v8;
	v18 =	vld.idx.msk [tilespmem:v18+s15+$0x0], $0xffff  }
0x275: {  	v45 =	vor.u32 v5, v15;
	v19 =	vld.idx.msk [tilespmem:v37+s15+$0x0], $0xffff;
	[tilespmem:s26+$0x50] =	vst v38  }
0x276: {  	v39 =	vor.u32 v6, v9;
	v10 =	vld.idx.msk [tilespmem:v31+s15+$0x0], $0xffff;
	[tilespmem:s3+$0x40] =	vst v36  }
0x277: {  	v46 =	vor.u32 v6, v11;
	v16 =	vld.idx.msk [tilespmem:v40+s15+$0x0], $0xffff;
	[tilespmem:s6+$0x40] =	vst v41  }
0x278: {  	v49 =	vor.u32 v6, v13;
	[tilespmem:s12+$0x0] =	vst v42;
	v50 =	vld.idx.msk [tilespmem:v43+s15+$0x0], $0xffff  }
0x279: {  	v52 =	vor.u32 v6, v14;
	v51 =	vld.idx.msk [tilespmem:v44+s15+$0x0], $0xffff;
	[tilespmem:s7+$0x40] =	vst v18  }
0x27a: {  	v53 =	vor.u32 v6, v12;
	[tilespmem:s0+$0x50] =	vst v19;
	v54 =	vld.idx.msk [tilespmem:v45+s15+$0x0], $0xffff  }
0x27b: {  	v55 =	vor.u32 v6, v15;
	[tilespmem:s28+$0x70] =	vst v10;
	v47 =	vld.idx.msk [tilespmem:v39+s15+$0x0], $0xffff  }
0x27c: {  	v48 =	vor.u32 v7, v9;
	v10 =	vld.idx.msk [tilespmem:v46+s15+$0x0], $0xffff;
	[tilespmem:s3+$0x50] =	vst v16  }
0x27d: {  	v56 =	vor.u32 v7, v11;
	v16 =	vld.idx.msk [tilespmem:v49+s15+$0x0], $0xffff;
	[tilespmem:s6+$0x50] =	vst v50  }
0x27e: {  	v57 =	vor.u32 v7, v13;
	[tilespmem:s12+$0x10] =	vst v51;
	v58 =	vld.idx.msk [tilespmem:v52+s15+$0x0], $0xffff  }
0x27f: {  	v60 =	vor.u32 v7, v14;
	v59 =	vld.idx.msk [tilespmem:v53+s15+$0x0], $0xffff;
	[tilespmem:s7+$0x50] =	vst v54  }
0x280: {  	v61 =	vor.u32 v7, v12;
	[tilespmem:s26+$0x60] =	vst v47;
	v62 =	vld.idx.msk [tilespmem:v55+s15+$0x0], $0xffff  }
0x281: {  	v63 =	vor.u32 v7, v15;
	[tilespmem:s0+$0x60] =	vst v10;
	v9 =	vld.idx.msk [tilespmem:v48+s15+$0x0], $0xffff  }
0x282: {  	v11 =	vld.idx.msk [tilespmem:v56+s15+$0x0], $0xffff;
	[tilespmem:s3+$0x60] =	vst v16  }
0x283: {  	v13 =	vld.idx.msk [tilespmem:v57+s15+$0x0], $0xffff;
	[tilespmem:s6+$0x60] =	vst v58  }
0x284: {  	[tilespmem:s12+$0x20] =	vst v59;
	v14 =	vld.idx.msk [tilespmem:v60+s15+$0x0], $0xffff  }
0x285: {  	v10 =	vld.idx.msk [tilespmem:v61+s15+$0x0], $0xffff;
	[tilespmem:s7+$0x60] =	vst v62  }
0x286: {  	s22 =	sadd.s32 $0x1, s22;
	[tilespmem:s26+$0x70] =	vst v9;
	v8 =	vld.idx.msk [tilespmem:v63+s15+$0x0], $0xffff  }
0x287: {  	p0 =	sne.s32 s22, $0xC8;
	s29 =	sadd.s32 s5, s23;
	[tilespmem:s0+$0x70] =	vst v11  }
.Ltmp4:
0x288: {  	s30 =	sshll.u32 s29, $0x7;
	[tilespmem:s3+$0x70] =	vst v13;
	(pc) =	sbr.rel @p0 .LBB2_2-.Ltmp4, $4  }
0x289: {  	s1 =	sand.u32 $0x3F80, s30;
	s0 =	sshll.u32 s29, $0x9;
	[tilespmem:s6+$0x70] =	vst v14  }
0x28a: {  	s1 =	sadd.s32 s2, s1;
	s0 =	sand.u32 $0xFFF0000, s0;
	[tilespmem:s12+$0x30] =	vst v10  }
0x28b: {  	s31 =	simm.s32 $0x1E000;
	s0 =	sadd.s32 s0, s1;
	[tilespmem:s7+$0x70] =	vst v8  }
0x28c: {  	[hbm4b:s0+s16] =	stream.strided.scatter [tilespmem:s31], [sflag:$0x2], $0x1000, s17, s16, $0x38;
	[tilespmem:$0x1F000] =	vst v63  }
0x28d: {  	_ =	swait.ge [sflag:s20], $0x1000  }
0x28e: {  	[sflag:s20] =	ssyncset.done $0x0  }
0x28f: {  	[sflag:s20] =	ssyncadd.s32 $0xFFFFF000  }
0x290: {  	_ =	swait.ge [sflag:s20], $0x1000  }
0x291: {  	s1 =	rddreg [dreg:$0x5]  }
0x292: {  	s0 =	rddreg [dreg:$0x4];
	s1 =	sadd.s32 $0x1, s1  }
0x293: {  	p0 =	sne.s32 s1, s0  }
.Ltmp5:
0x294: {  	_ = 	snop;
	(pc) =	sbr.rel @p0 .LBB2_1-.Ltmp5, $3  }
0x295: {  	_ =	sdelay $0x1  }
0x296: {  	[sflag:s20] =	ssyncset.done $0x0  }
0x297: {  	[sflag:s20] =	ssyncadd.s32 $0xFFFFF000  }
0x298: {  	_ =	sfence.sel $0x180000  }
0x299: {  	[bflag:$0x0] =	sbarrier.arrive $0xFFFF  }
0x29a: {  	_ =	strace $0x90000047  }
0x29b: {  	s0 =	stileid.u32;
	[bflag:$0x2] =	sbarrier.arrive $0xFFFF  }
0x29c: {  	p0 =	sne.s32 s0, $0x0;
	s0 =	rddreg [dreg:$0x2]  }
0x29d: {  	s0 =	sadd.s32 @!p0 $0x100000, s0  }
0x29e: {  	[sflag:s0] =	ssyncadd.tile.s32 @!p0 $0x1;
	_ =	shalt  }
.Lfunc_end2:
_tile_overlayer_lowered:
.L_overlay_start_2:
0x29f: {  	(tag) =	ssettag $0x2  }
0x2a0: {  	s0 =	rddreg [dreg:$0x0];
	s2 =	stileid.u32  }
0x2a1: {  	s1 =	rddreg [dreg:$0x1];
	p0 =	sne.s32 s2, $0x0  }
0x2a2: {  	s3 =	rddreg [dreg:$0x2];
	[bflag:$0x3] =	sbarrier.arrive $0xFFFF;
	s2 =	simm.s32 @!p0 $0x1C03  }
0x2a3: {  	[timem:s3], [sflag:s2] =	dma.local @!p0 [hbm:s0], s1  }
0x2a4: {  	s0 =	simm.s32 @!p0 $0x3  }
0x2a5: {  	_ =	swait.ge @!p0 [sflag:s0], s1  }
0x2a6: {  	s1 =	ssub.s32 @!p0 $0x0, s1;
	[sflag:s0] =	ssyncset.done @!p0 $0x0  }
0x2a7: {  	[sflag:s0] =	ssyncadd.s32 @!p0 s1  }
0x2a8: {  	[bflag:$0x3] =	sbarrier.arrive $0xFFFF  }
0x2a9: {  	_ =	shalt  }

</sc_bundles>
